<compile_context>
chip_gen: v7x
topology: tpu7x:2x2x1
jax: 0.10.2.dev20260603
libtpu: 0.0.44.dev20260713+nightly
codegen_flags: <defaults>
</compile_context>

<pallas_src>
import jax
import jax.numpy as jnp
from jax import lax
from jax.experimental import pallas as pl
from jax.experimental.pallas import tpu as pltpu
from jax.experimental.pallas import tpu_sc as plsc

N = 10000
E = 320000
H = 128
T = 8

NC = 2
NS = 16
NW = NC * NS
EW = E // NW
C = 80
NCHUNK = EW // C
RPT = 624
TAIL = N - RPT * NS
TAIL_OFF = RPT * NS


NCH_ALL = NW * NCHUNK


def _prep_body(h_ref, w_ref, b_ref, src_ref, typ_ref, y_ref, gidx_ref):
    t = pl.program_id(1)
    y = lax.dot_general(h_ref[...], w_ref[0],
                        (((1,), (1,)), ((), ())),
                        preferred_element_type=jnp.float32)
    y_ref[...] = y + b_ref[0]

    @pl.when((t == 0) & (pl.program_id(0) == 0))
    def _aux():
        gidx_ref[...] = typ_ref[...] * N + src_ref[...]


def _prep(h, W_msg, b_msg, src, typ):
    BN = 2000
    nb = N // BN
    return pl.pallas_call(
        _prep_body,
        grid=(nb, T),
        in_specs=[
            pl.BlockSpec((BN, H), lambda i, t: (i, 0)),
            pl.BlockSpec((1, H, H), lambda i, t: (t, 0, 0)),
            pl.BlockSpec((1, 1, H), lambda i, t: (t, 0, 0)),
            pl.BlockSpec((E // 128, 128), lambda i, t: (0, 0)),
            pl.BlockSpec((E // 128, 128), lambda i, t: (0, 0)),
        ],
        out_specs=[
            pl.BlockSpec((BN, H), lambda i, t: (t * nb + i, 0)),
            pl.BlockSpec((E // 128, 128), lambda i, t: (0, 0)),
        ],
        out_shape=[
            jax.ShapeDtypeStruct((T * N, H), jnp.float32),
            jax.ShapeDtypeStruct((E // 128, 128), jnp.int32),
        ],
    )(h, W_msg, b_msg.reshape(T, 1, H), src.reshape(E // 128, 128),
      typ.reshape(E // 128, 128))


R = 4
K = 2
NPIPE = (NCHUNK // R) * R


def _sc_body(y_hbm, gidx_hbm, dst_hbm, out_hbm,
             gbuf, dbuf, rows_v, acc_sh, esem, gsem, ssem):
    cid = lax.axis_index("c")
    sid = lax.axis_index("s")
    wid = cid * NS + sid

    def start_idx(c, b):
        base = wid * EW + c * C
        pltpu.async_copy(gidx_hbm.at[pl.ds(base, C)], gbuf[b], esem[b])
        pltpu.async_copy(dst_hbm.at[pl.ds(base, C)], dbuf[b], esem[b])

    def wait_idx(c, b):
        base = wid * EW + c * C
        pltpu.make_async_copy(gidx_hbm.at[pl.ds(base, C)], gbuf[b],
                              esem[b]).wait()
        pltpu.make_async_copy(dst_hbm.at[pl.ds(base, C)], dbuf[b],
                              esem[b]).wait()

    def start_gather(c, b):
        pltpu.async_copy(y_hbm.at[gbuf[b]], rows_v[b], gsem[b])

    def wait_gather(b):
        pltpu.make_async_copy(y_hbm.at[gbuf[b]], rows_v[b],
                              gsem[b]).wait()

    def start_scatter(b):
        pltpu.async_copy(rows_v[b], acc_sh.at[dbuf[b]], ssem[b],
                         add=True)

    def wait_scatter(b):
        pltpu.make_async_copy(rows_v[b], acc_sh.at[dbuf[b]],
                              ssem[b]).wait()

    for c in range(K):
        base = wid * EW + c * C
        pltpu.sync_copy(gidx_hbm.at[pl.ds(base, C)], gbuf[c])
        pltpu.sync_copy(dst_hbm.at[pl.ds(base, C)], dbuf[c])
        start_gather(c, c)
    start_idx(K, K)

    zbuf = rows_v[R - 1]

    @pl.loop(0, C)
    def _zrow(rr):
        for i in range(H // 16):
            zbuf[rr, pl.ds(i * 16, 16)] = jnp.zeros((16,), jnp.float32)

    for k in range(RPT // C):
        pltpu.sync_copy(zbuf, acc_sh.at[pl.ds(sid * RPT + k * C, C)])
    rem = RPT % C
    pltpu.sync_copy(zbuf.at[pl.ds(0, rem)],
                    acc_sh.at[pl.ds(sid * RPT + (RPT // C) * C, rem)])

    @pl.when(sid == 0)
    def _zero_tail():
        pltpu.sync_copy(zbuf.at[pl.ds(0, TAIL)],
                        acc_sh.at[pl.ds(TAIL_OFF, TAIL)])

    plsc.subcore_barrier()

    @pl.loop(0, NPIPE // R)
    def _grp(g):
        for r in range(R):
            c = g * R + r
            wait_gather(r)
            start_scatter(r)

            ci = c + K + 1
            bi = (r + K + 1) % R

            @pl.when(ci < NCHUNK)
            def _idx_prefetch():
                @pl.when(ci >= R)
                def _reclaim():
                    wait_scatter(bi)
                start_idx(ci, bi)

            cp = c + K
            bp = (r + K) % R

            @pl.when(cp < NCHUNK)
            def _gather_prefetch():
                wait_idx(cp, bp)
                start_gather(cp, bp)

    for c in range(NPIPE, NCHUNK):
        wait_gather(c % R)
        start_scatter(c % R)

    for b in range(R):
        wait_scatter(b)

    plsc.subcore_barrier()
    pltpu.sync_copy(acc_sh.at[pl.ds(sid * RPT, RPT)],
                    out_hbm.at[cid, pl.ds(sid * RPT, RPT)])

    @pl.when(sid == 0)
    def _write_tail():
        pltpu.sync_copy(acc_sh.at[pl.ds(TAIL_OFF, TAIL)],
                        out_hbm.at[cid, pl.ds(TAIL_OFF, TAIL)])


def _sc_scatter(y, gidx, dst):
    mesh = plsc.VectorSubcoreMesh(core_axis_name="c", subcore_axis_name="s",
                                  num_cores=NC, num_subcores=NS)
    f = pl.kernel(
        _sc_body,
        out_type=jax.ShapeDtypeStruct((NC, N, H), jnp.float32),
        mesh=mesh,
        scratch_types=[
            [pltpu.VMEM((C,), jnp.int32) for _ in range(R)],
            [pltpu.VMEM((C,), jnp.int32) for _ in range(R)],
            [pltpu.VMEM((C, H), jnp.float32) for _ in range(R)],
            pltpu.VMEM_SHARED((N, H), jnp.float32),
            [pltpu.SemaphoreType.DMA for _ in range(R)],
            [pltpu.SemaphoreType.DMA for _ in range(R)],
            [pltpu.SemaphoreType.DMA for _ in range(R)],
        ],
    )
    return f(y, gidx, dst)


def _gru_body(p_ref, h_ref, wih_ref, whh_ref, bih_ref, bhh_ref, o_ref):
    m = p_ref[0] + p_ref[1]
    hv = h_ref[...]
    gi = lax.dot_general(m, wih_ref[...], (((1,), (1,)), ((), ())),
                         preferred_element_type=jnp.float32) + bih_ref[...]
    gh = lax.dot_general(hv, whh_ref[...], (((1,), (1,)), ((), ())),
                         preferred_element_type=jnp.float32) + bhh_ref[...]
    i_r, i_z, i_n = gi[:, :H], gi[:, H:2 * H], gi[:, 2 * H:]
    h_r, h_z, h_n = gh[:, :H], gh[:, H:2 * H], gh[:, 2 * H:]
    r = jax.nn.sigmoid(i_r + h_r)
    z = jax.nn.sigmoid(i_z + h_z)
    n = jnp.tanh(i_n + r * h_n)
    o_ref[...] = (1.0 - z) * n + z * hv


def _gru(partials, h, wih, whh, bih, bhh):
    BN = 2000
    nb = N // BN
    return pl.pallas_call(
        _gru_body,
        grid=(nb,),
        in_specs=[
            pl.BlockSpec((NC, BN, H), lambda i: (0, i, 0)),
            pl.BlockSpec((BN, H), lambda i: (i, 0)),
            pl.BlockSpec((3 * H, H), lambda i: (0, 0)),
            pl.BlockSpec((3 * H, H), lambda i: (0, 0)),
            pl.BlockSpec((3 * H,), lambda i: (0,)),
            pl.BlockSpec((3 * H,), lambda i: (0,)),
        ],
        out_specs=pl.BlockSpec((BN, H), lambda i: (i, 0)),
        out_shape=jax.ShapeDtypeStruct((N, H), jnp.float32),
    )(partials, h, wih, whh, bih, bhh)


@jax.jit
def kernel(h, edge_index, edge_type, W_msg, b_msg, weight_ih, weight_hh,
           bias_ih, bias_hh):
    src = edge_index[0]
    dst = edge_index[1]
    y, gidx = _prep(h, W_msg, b_msg, src, edge_type)
    partials = _sc_scatter(y, gidx.reshape(E), dst)
    return _gru(partials, h, weight_ih, weight_hh, bias_ih, bias_hh)

# --- scband reference (transcript-rebuilt; emitter-appended) ---
"""Pipeline reference for scband-simple-ggnn-22325240004844 (READ-ONLY COPY).

The authoritative reference and input builder live on the scoring server;
editing this copy changes nothing except your own understanding.
"""

import jax, jax.numpy as jnp
import numpy as np

N = 10000
E = 320000
H = 128
T = 8


def setup_inputs(seed: int = 0) -> dict:
    key = jax.random.key(seed)
    ks = jax.random.split(key, 10)
    h = jax.random.normal(ks[0], (N, H), dtype=jnp.float32)
    edge_index = jax.random.randint(ks[1], (2, E), 0, N, dtype=jnp.int32)
    edge_type = jax.random.randint(ks[2], (E,), 0, T, dtype=jnp.int32)
    # per-edge-type message Linear(H, H): weight (H,H), bias (H)
    W_msg = jax.random.normal(ks[3], (T, H, H), dtype=jnp.float32) * 0.05
    b_msg = jax.random.normal(ks[4], (T, H), dtype=jnp.float32) * 0.05
    # GRUCell params (torch layout): weight_ih (3H, H), weight_hh (3H, H)
    weight_ih = jax.random.normal(ks[5], (3 * H, H), dtype=jnp.float32) * 0.05
    weight_hh = jax.random.normal(ks[6], (3 * H, H), dtype=jnp.float32) * 0.05
    bias_ih = jax.random.normal(ks[7], (3 * H,), dtype=jnp.float32) * 0.05
    bias_hh = jax.random.normal(ks[8], (3 * H,), dtype=jnp.float32) * 0.05
    return {
        "h": h,
        "edge_index": edge_index,
        "edge_type": edge_type,
        "W_msg": W_msg,
        "b_msg": b_msg,
        "weight_ih": weight_ih,
        "weight_hh": weight_hh,
        "bias_ih": bias_ih,
        "bias_hh": bias_hh,
    }


def reference(h, edge_index, edge_type, W_msg, b_msg, weight_ih, weight_hh, bias_ih, bias_hh):
    src = edge_index[0]
    dst = edge_index[1]
    h_src = jnp.take(h, src, axis=0)  # gather (E, H)
    messages = jnp.zeros((N, H), dtype=h.dtype)
    for e in range(T):
        msg = h_src @ W_msg[e].T + b_msg[e]  # Linear for edge type e, computed on all edges
        mask = (edge_type == e)[:, None]
        masked = jnp.where(mask, msg, jnp.zeros_like(msg))  # zero out edges of other types
        messages = messages + jax.ops.segment_sum(masked, dst, num_segments=N)  # index_add_
    # GRUCell(messages, h)
    gi = messages @ weight_ih.T + bias_ih
    gh = h @ weight_hh.T + bias_hh
    i_r, i_z, i_n = jnp.split(gi, 3, axis=1)
    h_r, h_z, h_n = jnp.split(gh, 3, axis=1)
    r = jax.nn.sigmoid(i_r + h_r)
    z = jax.nn.sigmoid(i_z + h_z)
    n = jnp.tanh(i_n + r * h_n)
    h_new = (1.0 - z) * n + z * h
    return h_new

if __name__ == "__main__":
    import jax
    _d = setup_inputs()
    print(jax.jit(kernel)(*tuple(_d.values())))

</pallas_src>

<mosaic_0001>
#map = affine_map<(d0, d1) -> (0, 0)>
#map1 = affine_map<(d0, d1) -> (0)>
#map2 = affine_map<(d0, d1) -> (0, 0, 0)>
module attributes {stable_mosaic.version = 14 : i64} {
  func.func @_sc_body(%arg0: i32, %arg1: i32, %arg2: memref<80000x128xf32, #tpu.memory_space<hbm>>, %arg3: memref<320000xi32, #tpu.memory_space<hbm>>, %arg4: memref<320000xi32, #tpu.memory_space<hbm>>, %arg5: memref<2x10000x128xf32, #tpu.memory_space<hbm>>, %arg6: memref<80xi32, #tpu.memory_space<vmem>>, %arg7: memref<80xi32, #tpu.memory_space<vmem>>, %arg8: memref<80xi32, #tpu.memory_space<vmem>>, %arg9: memref<80xi32, #tpu.memory_space<vmem>>, %arg10: memref<80xi32, #tpu.memory_space<vmem>>, %arg11: memref<80xi32, #tpu.memory_space<vmem>>, %arg12: memref<80xi32, #tpu.memory_space<vmem>>, %arg13: memref<80xi32, #tpu.memory_space<vmem>>, %arg14: memref<80x128xf32, #tpu.memory_space<vmem>>, %arg15: memref<80x128xf32, #tpu.memory_space<vmem>>, %arg16: memref<80x128xf32, #tpu.memory_space<vmem>>, %arg17: memref<80x128xf32, #tpu.memory_space<vmem>>, %arg18: memref<10000x128xf32, #tpu.memory_space<vmem_shared>>, %arg19: memref<!tpu.dma_semaphore, #tpu.memory_space<semaphore_mem>>, %arg20: memref<!tpu.dma_semaphore, #tpu.memory_space<semaphore_mem>>, %arg21: memref<!tpu.dma_semaphore, #tpu.memory_space<semaphore_mem>>, %arg22: memref<!tpu.dma_semaphore, #tpu.memory_space<semaphore_mem>>, %arg23: memref<!tpu.dma_semaphore, #tpu.memory_space<semaphore_mem>>, %arg24: memref<!tpu.dma_semaphore, #tpu.memory_space<semaphore_mem>>, %arg25: memref<!tpu.dma_semaphore, #tpu.memory_space<semaphore_mem>>, %arg26: memref<!tpu.dma_semaphore, #tpu.memory_space<semaphore_mem>>, %arg27: memref<!tpu.dma_semaphore, #tpu.memory_space<semaphore_mem>>, %arg28: memref<!tpu.dma_semaphore, #tpu.memory_space<semaphore_mem>>, %arg29: memref<!tpu.dma_semaphore, #tpu.memory_space<semaphore_mem>>, %arg30: memref<!tpu.dma_semaphore, #tpu.memory_space<semaphore_mem>>) attributes {dimension_semantics = [#tpu.dimension_semantics<core_parallel>, #tpu.dimension_semantics<subcore_parallel>], iteration_bounds = array<i64: 2, 16>, scalar_prefetch = 0 : i64, scratch_operands = 25 : i64, tpu.core_type = #tpu.core_type<sc_vector_subcore>, window_params = [{transform_indices = #map}, {transform_indices = #map1}, {transform_indices = #map1}, {transform_indices = #map2}]} {
    %mul3A = arith.constant 16 : i32
    %mul3A_0 = arith.muli %arg0, %mul3A : i32
    %add3A = arith.addi %mul3A_0, %arg1 : i32
    %mul3A_1 = arith.constant 10000 : i32
    %mul3A_2 = arith.muli %add3A, %mul3A_1 : i32
    %add3A_3 = arith.constant 0 : i32
    %add3A_4 = arith.addi %mul3A_2, %add3A_3 : i32
    "tpu.region"() ({
      %run_scoped3A = tpu.sem_alloc : memref<!tpu.dma_semaphore, #tpu.memory_space<semaphore_mem>>
      %dma_start3A_92 = tpu.memref_slice %arg3[%add3A_4] : memref<320000xi32, #tpu.memory_space<hbm>> -> memref<80xi32, #tpu.memory_space<hbm>>
      %dma_start3A_93 = tpu.memref_slice %arg3[%add3A_4] : memref<320000xi32, #tpu.memory_space<hbm>> -> memref<80xi32, #tpu.memory_space<hbm>>
      tpu.enqueue_dma source(%dma_start3A_93 : memref<80xi32, #tpu.memory_space<hbm>>) target(%arg6 : memref<80xi32, #tpu.memory_space<vmem>>) target_semaphore(%run_scoped3A : memref<!tpu.dma_semaphore, #tpu.memory_space<semaphore_mem>>)
      %dma_wait3A_94 = tpu.memref_slice %arg3[%add3A_4] : memref<320000xi32, #tpu.memory_space<hbm>> -> memref<80xi32, #tpu.memory_space<hbm>>
      %dma_wait3A_95 = tpu.memref_slice %arg3[%add3A_4] : memref<320000xi32, #tpu.memory_space<hbm>> -> memref<80xi32, #tpu.memory_space<hbm>>
      tpu.wait_dma2 semaphore(%run_scoped3A : memref<!tpu.dma_semaphore, #tpu.memory_space<semaphore_mem>>) src(%dma_wait3A_95 : memref<80xi32, #tpu.memory_space<hbm>>) dst(%arg6 : memref<80xi32, #tpu.memory_space<vmem>>)
      tpu.yield
    }) : () -> ()
    "tpu.region"() ({
      %run_scoped3A = tpu.sem_alloc : memref<!tpu.dma_semaphore, #tpu.memory_space<semaphore_mem>>
      %dma_start3A_92 = tpu.memref_slice %arg4[%add3A_4] : memref<320000xi32, #tpu.memory_space<hbm>> -> memref<80xi32, #tpu.memory_space<hbm>>
      %dma_start3A_93 = tpu.memref_slice %arg4[%add3A_4] : memref<320000xi32, #tpu.memory_space<hbm>> -> memref<80xi32, #tpu.memory_space<hbm>>
      tpu.enqueue_dma source(%dma_start3A_93 : memref<80xi32, #tpu.memory_space<hbm>>) target(%arg10 : memref<80xi32, #tpu.memory_space<vmem>>) target_semaphore(%run_scoped3A : memref<!tpu.dma_semaphore, #tpu.memory_space<semaphore_mem>>)
      %dma_wait3A_94 = tpu.memref_slice %arg4[%add3A_4] : memref<320000xi32, #tpu.memory_space<hbm>> -> memref<80xi32, #tpu.memory_space<hbm>>
      %dma_wait3A_95 = tpu.memref_slice %arg4[%add3A_4] : memref<320000xi32, #tpu.memory_space<hbm>> -> memref<80xi32, #tpu.memory_space<hbm>>
      tpu.wait_dma2 semaphore(%run_scoped3A : memref<!tpu.dma_semaphore, #tpu.memory_space<semaphore_mem>>) src(%dma_wait3A_95 : memref<80xi32, #tpu.memory_space<hbm>>) dst(%arg10 : memref<80xi32, #tpu.memory_space<vmem>>)
      tpu.yield
    }) : () -> ()
    %dma_start3A = arith.constant 0 : i32
    %dma_start3A_5 = arith.constant 0 : i32
    %dma_start3A_6 = tpu.memref_slice %arg2[%dma_start3A, %dma_start3A_5] : memref<80000x128xf32, #tpu.memory_space<hbm>> -> memref<80000x128xf32, #tpu.memory_space<hbm>>
    tpu.enqueue_indirect_dma source(%dma_start3A_6 : memref<80000x128xf32, #tpu.memory_space<hbm>>) target(%arg14 : memref<80x128xf32, #tpu.memory_space<vmem>>) offsets(%arg6 : memref<80xi32, #tpu.memory_space<vmem>>) semaphore(%arg23 : memref<!tpu.dma_semaphore, #tpu.memory_space<semaphore_mem>>)
    %mul3A_7 = arith.constant 10000 : i32
    %mul3A_8 = arith.muli %add3A, %mul3A_7 : i32
    %add3A_9 = arith.constant 80 : i32
    %add3A_10 = arith.addi %mul3A_8, %add3A_9 : i32
    "tpu.region"() ({
      %run_scoped3A = tpu.sem_alloc : memref<!tpu.dma_semaphore, #tpu.memory_space<semaphore_mem>>
      %dma_start3A_92 = tpu.memref_slice %arg3[%add3A_10] : memref<320000xi32, #tpu.memory_space<hbm>> -> memref<80xi32, #tpu.memory_space<hbm>>
      %dma_start3A_93 = tpu.memref_slice %arg3[%add3A_10] : memref<320000xi32, #tpu.memory_space<hbm>> -> memref<80xi32, #tpu.memory_space<hbm>>
      tpu.enqueue_dma source(%dma_start3A_93 : memref<80xi32, #tpu.memory_space<hbm>>) target(%arg7 : memref<80xi32, #tpu.memory_space<vmem>>) target_semaphore(%run_scoped3A : memref<!tpu.dma_semaphore, #tpu.memory_space<semaphore_mem>>)
      %dma_wait3A_94 = tpu.memref_slice %arg3[%add3A_10] : memref<320000xi32, #tpu.memory_space<hbm>> -> memref<80xi32, #tpu.memory_space<hbm>>
      %dma_wait3A_95 = tpu.memref_slice %arg3[%add3A_10] : memref<320000xi32, #tpu.memory_space<hbm>> -> memref<80xi32, #tpu.memory_space<hbm>>
      tpu.wait_dma2 semaphore(%run_scoped3A : memref<!tpu.dma_semaphore, #tpu.memory_space<semaphore_mem>>) src(%dma_wait3A_95 : memref<80xi32, #tpu.memory_space<hbm>>) dst(%arg7 : memref<80xi32, #tpu.memory_space<vmem>>)
      tpu.yield
    }) : () -> ()
    "tpu.region"() ({
      %run_scoped3A = tpu.sem_alloc : memref<!tpu.dma_semaphore, #tpu.memory_space<semaphore_mem>>
      %dma_start3A_92 = tpu.memref_slice %arg4[%add3A_10] : memref<320000xi32, #tpu.memory_space<hbm>> -> memref<80xi32, #tpu.memory_space<hbm>>
      %dma_start3A_93 = tpu.memref_slice %arg4[%add3A_10] : memref<320000xi32, #tpu.memory_space<hbm>> -> memref<80xi32, #tpu.memory_space<hbm>>
      tpu.enqueue_dma source(%dma_start3A_93 : memref<80xi32, #tpu.memory_space<hbm>>) target(%arg11 : memref<80xi32, #tpu.memory_space<vmem>>) target_semaphore(%run_scoped3A : memref<!tpu.dma_semaphore, #tpu.memory_space<semaphore_mem>>)
      %dma_wait3A_94 = tpu.memref_slice %arg4[%add3A_10] : memref<320000xi32, #tpu.memory_space<hbm>> -> memref<80xi32, #tpu.memory_space<hbm>>
      %dma_wait3A_95 = tpu.memref_slice %arg4[%add3A_10] : memref<320000xi32, #tpu.memory_space<hbm>> -> memref<80xi32, #tpu.memory_space<hbm>>
      tpu.wait_dma2 semaphore(%run_scoped3A : memref<!tpu.dma_semaphore, #tpu.memory_space<semaphore_mem>>) src(%dma_wait3A_95 : memref<80xi32, #tpu.memory_space<hbm>>) dst(%arg11 : memref<80xi32, #tpu.memory_space<vmem>>)
      tpu.yield
    }) : () -> ()
    %dma_start3A_11 = arith.constant 0 : i32
    %dma_start3A_12 = arith.constant 0 : i32
    %dma_start3A_13 = tpu.memref_slice %arg2[%dma_start3A_11, %dma_start3A_12] : memref<80000x128xf32, #tpu.memory_space<hbm>> -> memref<80000x128xf32, #tpu.memory_space<hbm>>
    tpu.enqueue_indirect_dma source(%dma_start3A_13 : memref<80000x128xf32, #tpu.memory_space<hbm>>) target(%arg15 : memref<80x128xf32, #tpu.memory_space<vmem>>) offsets(%arg7 : memref<80xi32, #tpu.memory_space<vmem>>) semaphore(%arg24 : memref<!tpu.dma_semaphore, #tpu.memory_space<semaphore_mem>>)
    %mul3A_14 = arith.constant 10000 : i32
    %mul3A_15 = arith.muli %add3A, %mul3A_14 : i32
    %add3A_16 = arith.constant 160 : i32
    %add3A_17 = arith.addi %mul3A_15, %add3A_16 : i32
    %dma_start3A_18 = tpu.memref_slice %arg3[%add3A_17] : memref<320000xi32, #tpu.memory_space<hbm>> -> memref<80xi32, #tpu.memory_space<hbm>>
    %dma_start3A_19 = tpu.memref_slice %arg3[%add3A_17] : memref<320000xi32, #tpu.memory_space<hbm>> -> memref<80xi32, #tpu.memory_space<hbm>>
    tpu.enqueue_dma source(%dma_start3A_19 : memref<80xi32, #tpu.memory_space<hbm>>) target(%arg8 : memref<80xi32, #tpu.memory_space<vmem>>) target_semaphore(%arg21 : memref<!tpu.dma_semaphore, #tpu.memory_space<semaphore_mem>>)
    %dma_start3A_20 = tpu.memref_slice %arg4[%add3A_17] : memref<320000xi32, #tpu.memory_space<hbm>> -> memref<80xi32, #tpu.memory_space<hbm>>
    %dma_start3A_21 = tpu.memref_slice %arg4[%add3A_17] : memref<320000xi32, #tpu.memory_space<hbm>> -> memref<80xi32, #tpu.memory_space<hbm>>
    tpu.enqueue_dma source(%dma_start3A_21 : memref<80xi32, #tpu.memory_space<hbm>>) target(%arg12 : memref<80xi32, #tpu.memory_space<vmem>>) target_semaphore(%arg21 : memref<!tpu.dma_semaphore, #tpu.memory_space<semaphore_mem>>)
    %scan3A = arith.constant 0 : i32
    %scan3A_22 = arith.constant 80 : i32
    %scan3A_23 = arith.addi %scan3A, %scan3A_22 : i32
    %scan3A_24 = arith.constant 1 : i32
    scf.for %scan3A_92 = %scan3A to %scan3A_23 step %scan3A_24  : i32 {
      %mul3A_93 = arith.constant 1 : i32
      %mul3A_94 = arith.muli %scan3A_92, %mul3A_93 : i32
      %add3A_95 = arith.constant 0 : i32
      %add3A_96 = arith.addi %add3A_95, %mul3A_94 : i32
      %broadcast_in_dim3A = arith.constant 0.000000e+00 : f32
      %broadcast_in_dim3A_97 = vector.broadcast %broadcast_in_dim3A : f32 to vector<16xf32>
      %swap3A = arith.index_cast %add3A_96 : i32 to index
      %swap3A_98 = arith.constant 0 : index
      %swap3A_99 = tpu.vector_load %arg17[%swap3A, %swap3A_98] {strides = array<i32>} : memref<80x128xf32, #tpu.memory_space<vmem>>, vector<1x16xf32>,
      %swap3A_100 = vector.shape_cast %swap3A_99 : vector<1x16xf32> to vector<16xf32>
      %swap3A_101 = vector.shape_cast %broadcast_in_dim3A_97 : vector<16xf32> to vector<1x16xf32>
      tpu.vector_store %arg17[%swap3A, %swap3A_98], %swap3A_101 {strides = array<i32>} : memref<80x128xf32, #tpu.memory_space<vmem>>, vector<1x16xf32>,
      %broadcast_in_dim3A_102 = arith.constant 0.000000e+00 : f32
      %broadcast_in_dim3A_103 = vector.broadcast %broadcast_in_dim3A_102 : f32 to vector<16xf32>
      %swap3A_104 = arith.index_cast %add3A_96 : i32 to index
      %swap3A_105 = arith.constant 16 : index
      %swap3A_106 = tpu.vector_load %arg17[%swap3A_104, %swap3A_105] {strides = array<i32>} : memref<80x128xf32, #tpu.memory_space<vmem>>, vector<1x16xf32>,
      %swap3A_107 = vector.shape_cast %swap3A_106 : vector<1x16xf32> to vector<16xf32>
      %swap3A_108 = vector.shape_cast %broadcast_in_dim3A_103 : vector<16xf32> to vector<1x16xf32>
      tpu.vector_store %arg17[%swap3A_104, %swap3A_105], %swap3A_108 {strides = array<i32>} : memref<80x128xf32, #tpu.memory_space<vmem>>, vector<1x16xf32>,
      %broadcast_in_dim3A_109 = arith.constant 0.000000e+00 : f32
      %broadcast_in_dim3A_110 = vector.broadcast %broadcast_in_dim3A_109 : f32 to vector<16xf32>
      %swap3A_111 = arith.index_cast %add3A_96 : i32 to index
      %swap3A_112 = arith.constant 32 : index
      %swap3A_113 = tpu.vector_load %arg17[%swap3A_111, %swap3A_112] {strides = array<i32>} : memref<80x128xf32, #tpu.memory_space<vmem>>, vector<1x16xf32>,
      %swap3A_114 = vector.shape_cast %swap3A_113 : vector<1x16xf32> to vector<16xf32>
      %swap3A_115 = vector.shape_cast %broadcast_in_dim3A_110 : vector<16xf32> to vector<1x16xf32>
      tpu.vector_store %arg17[%swap3A_111, %swap3A_112], %swap3A_115 {strides = array<i32>} : memref<80x128xf32, #tpu.memory_space<vmem>>, vector<1x16xf32>,
      %broadcast_in_dim3A_116 = arith.constant 0.000000e+00 : f32
      %broadcast_in_dim3A_117 = vector.broadcast %broadcast_in_dim3A_116 : f32 to vector<16xf32>
      %swap3A_118 = arith.index_cast %add3A_96 : i32 to index
      %swap3A_119 = arith.constant 48 : index
      %swap3A_120 = tpu.vector_load %arg17[%swap3A_118, %swap3A_119] {strides = array<i32>} : memref<80x128xf32, #tpu.memory_space<vmem>>, vector<1x16xf32>,
      %swap3A_121 = vector.shape_cast %swap3A_120 : vector<1x16xf32> to vector<16xf32>
      %swap3A_122 = vector.shape_cast %broadcast_in_dim3A_117 : vector<16xf32> to vector<1x16xf32>
      tpu.vector_store %arg17[%swap3A_118, %swap3A_119], %swap3A_122 {strides = array<i32>} : memref<80x128xf32, #tpu.memory_space<vmem>>, vector<1x16xf32>,
      %broadcast_in_dim3A_123 = arith.constant 0.000000e+00 : f32
      %broadcast_in_dim3A_124 = vector.broadcast %broadcast_in_dim3A_123 : f32 to vector<16xf32>
      %swap3A_125 = arith.index_cast %add3A_96 : i32 to index
      %swap3A_126 = arith.constant 64 : index
      %swap3A_127 = tpu.vector_load %arg17[%swap3A_125, %swap3A_126] {strides = array<i32>} : memref<80x128xf32, #tpu.memory_space<vmem>>, vector<1x16xf32>,
      %swap3A_128 = vector.shape_cast %swap3A_127 : vector<1x16xf32> to vector<16xf32>
      %swap3A_129 = vector.shape_cast %broadcast_in_dim3A_124 : vector<16xf32> to vector<1x16xf32>
      tpu.vector_store %arg17[%swap3A_125, %swap3A_126], %swap3A_129 {strides = array<i32>} : memref<80x128xf32, #tpu.memory_space<vmem>>, vector<1x16xf32>,
      %broadcast_in_dim3A_130 = arith.constant 0.000000e+00 : f32
      %broadcast_in_dim3A_131 = vector.broadcast %broadcast_in_dim3A_130 : f32 to vector<16xf32>
      %swap3A_132 = arith.index_cast %add3A_96 : i32 to index
      %swap3A_133 = arith.constant 80 : index
      %swap3A_134 = tpu.vector_load %arg17[%swap3A_132, %swap3A_133] {strides = array<i32>} : memref<80x128xf32, #tpu.memory_space<vmem>>, vector<1x16xf32>,
      %swap3A_135 = vector.shape_cast %swap3A_134 : vector<1x16xf32> to vector<16xf32>
      %swap3A_136 = vector.shape_cast %broadcast_in_dim3A_131 : vector<16xf32> to vector<1x16xf32>
      tpu.vector_store %arg17[%swap3A_132, %swap3A_133], %swap3A_136 {strides = array<i32>} : memref<80x128xf32, #tpu.memory_space<vmem>>, vector<1x16xf32>,
      %broadcast_in_dim3A_137 = arith.constant 0.000000e+00 : f32
      %broadcast_in_dim3A_138 = vector.broadcast %broadcast_in_dim3A_137 : f32 to vector<16xf32>
      %swap3A_139 = arith.index_cast %add3A_96 : i32 to index
      %swap3A_140 = arith.constant 96 : index
      %swap3A_141 = tpu.vector_load %arg17[%swap3A_139, %swap3A_140] {strides = array<i32>} : memref<80x128xf32, #tpu.memory_space<vmem>>, vector<1x16xf32>,
      %swap3A_142 = vector.shape_cast %swap3A_141 : vector<1x16xf32> to vector<16xf32>
      %swap3A_143 = vector.shape_cast %broadcast_in_dim3A_138 : vector<16xf32> to vector<1x16xf32>
      tpu.vector_store %arg17[%swap3A_139, %swap3A_140], %swap3A_143 {strides = array<i32>} : memref<80x128xf32, #tpu.memory_space<vmem>>, vector<1x16xf32>,
      %broadcast_in_dim3A_144 = arith.constant 0.000000e+00 : f32
      %broadcast_in_dim3A_145 = vector.broadcast %broadcast_in_dim3A_144 : f32 to vector<16xf32>
      %swap3A_146 = arith.index_cast %add3A_96 : i32 to index
      %swap3A_147 = arith.constant 112 : index
      %swap3A_148 = tpu.vector_load %arg17[%swap3A_146, %swap3A_147] {strides = array<i32>} : memref<80x128xf32, #tpu.memory_space<vmem>>, vector<1x16xf32>,
      %swap3A_149 = vector.shape_cast %swap3A_148 : vector<1x16xf32> to vector<16xf32>
      %swap3A_150 = vector.shape_cast %broadcast_in_dim3A_145 : vector<16xf32> to vector<1x16xf32>
      tpu.vector_store %arg17[%swap3A_146, %swap3A_147], %swap3A_150 {strides = array<i32>} : memref<80x128xf32, #tpu.memory_space<vmem>>, vector<1x16xf32>,
    }
    %scan3A_25 = arith.constant 80 : i32
    %mul3A_26 = arith.constant 624 : i32
    %mul3A_27 = arith.muli %arg1, %mul3A_26 : i32
    %add3A_28 = arith.constant 0 : i32
    %add3A_29 = arith.addi %mul3A_27, %add3A_28 : i32
    "tpu.region"() ({
      %run_scoped3A = tpu.sem_alloc : memref<!tpu.dma_semaphore, #tpu.memory_space<semaphore_mem>>
      %dma_start3A_92 = arith.constant 0 : i32
      %dma_start3A_93 = tpu.memref_slice %arg18[%add3A_29, %dma_start3A_92] : memref<10000x128xf32, #tpu.memory_space<vmem_shared>> -> memref<80x128xf32, #tpu.memory_space<vmem_shared>>
      %dma_start3A_94 = arith.constant 0 : i32
      %dma_start3A_95 = tpu.memref_slice %arg18[%add3A_29, %dma_start3A_94] : memref<10000x128xf32, #tpu.memory_space<vmem_shared>> -> memref<80x128xf32, #tpu.memory_space<vmem_shared>>
      tpu.enqueue_dma source(%arg17 : memref<80x128xf32, #tpu.memory_space<vmem>>) target(%dma_start3A_95 : memref<80x128xf32, #tpu.memory_space<vmem_shared>>) target_semaphore(%run_scoped3A : memref<!tpu.dma_semaphore, #tpu.memory_space<semaphore_mem>>)
      %dma_wait3A_96 = arith.constant 0 : i32
      %dma_wait3A_97 = tpu.memref_slice %arg18[%add3A_29, %dma_wait3A_96] : memref<10000x128xf32, #tpu.memory_space<vmem_shared>> -> memref<80x128xf32, #tpu.memory_space<vmem_shared>>
      %dma_wait3A_98 = arith.constant 0 : i32
      %dma_wait3A_99 = tpu.memref_slice %arg18[%add3A_29, %dma_wait3A_98] : memref<10000x128xf32, #tpu.memory_space<vmem_shared>> -> memref<80x128xf32, #tpu.memory_space<vmem_shared>>
      tpu.wait_dma2 semaphore(%run_scoped3A : memref<!tpu.dma_semaphore, #tpu.memory_space<semaphore_mem>>) src(%arg17 : memref<80x128xf32, #tpu.memory_space<vmem>>) dst(%dma_wait3A_99 : memref<80x128xf32, #tpu.memory_space<vmem_shared>>)
      tpu.yield
    }) : () -> ()
    %mul3A_30 = arith.constant 624 : i32
    %mul3A_31 = arith.muli %arg1, %mul3A_30 : i32
    %add3A_32 = arith.constant 80 : i32
    %add3A_33 = arith.addi %mul3A_31, %add3A_32 : i32
    "tpu.region"() ({
      %run_scoped3A = tpu.sem_alloc : memref<!tpu.dma_semaphore, #tpu.memory_space<semaphore_mem>>
      %dma_start3A_92 = arith.constant 0 : i32
      %dma_start3A_93 = tpu.memref_slice %arg18[%add3A_33, %dma_start3A_92] : memref<10000x128xf32, #tpu.memory_space<vmem_shared>> -> memref<80x128xf32, #tpu.memory_space<vmem_shared>>
      %dma_start3A_94 = arith.constant 0 : i32
      %dma_start3A_95 = tpu.memref_slice %arg18[%add3A_33, %dma_start3A_94] : memref<10000x128xf32, #tpu.memory_space<vmem_shared>> -> memref<80x128xf32, #tpu.memory_space<vmem_shared>>
      tpu.enqueue_dma source(%arg17 : memref<80x128xf32, #tpu.memory_space<vmem>>) target(%dma_start3A_95 : memref<80x128xf32, #tpu.memory_space<vmem_shared>>) target_semaphore(%run_scoped3A : memref<!tpu.dma_semaphore, #tpu.memory_space<semaphore_mem>>)
      %dma_wait3A_96 = arith.constant 0 : i32
      %dma_wait3A_97 = tpu.memref_slice %arg18[%add3A_33, %dma_wait3A_96] : memref<10000x128xf32, #tpu.memory_space<vmem_shared>> -> memref<80x128xf32, #tpu.memory_space<vmem_shared>>
      %dma_wait3A_98 = arith.constant 0 : i32
      %dma_wait3A_99 = tpu.memref_slice %arg18[%add3A_33, %dma_wait3A_98] : memref<10000x128xf32, #tpu.memory_space<vmem_shared>> -> memref<80x128xf32, #tpu.memory_space<vmem_shared>>
      tpu.wait_dma2 semaphore(%run_scoped3A : memref<!tpu.dma_semaphore, #tpu.memory_space<semaphore_mem>>) src(%arg17 : memref<80x128xf32, #tpu.memory_space<vmem>>) dst(%dma_wait3A_99 : memref<80x128xf32, #tpu.memory_space<vmem_shared>>)
      tpu.yield
    }) : () -> ()
    %mul3A_34 = arith.constant 624 : i32
    %mul3A_35 = arith.muli %arg1, %mul3A_34 : i32
    %add3A_36 = arith.constant 160 : i32
    %add3A_37 = arith.addi %mul3A_35, %add3A_36 : i32
    "tpu.region"() ({
      %run_scoped3A = tpu.sem_alloc : memref<!tpu.dma_semaphore, #tpu.memory_space<semaphore_mem>>
      %dma_start3A_92 = arith.constant 0 : i32
      %dma_start3A_93 = tpu.memref_slice %arg18[%add3A_37, %dma_start3A_92] : memref<10000x128xf32, #tpu.memory_space<vmem_shared>> -> memref<80x128xf32, #tpu.memory_space<vmem_shared>>
      %dma_start3A_94 = arith.constant 0 : i32
      %dma_start3A_95 = tpu.memref_slice %arg18[%add3A_37, %dma_start3A_94] : memref<10000x128xf32, #tpu.memory_space<vmem_shared>> -> memref<80x128xf32, #tpu.memory_space<vmem_shared>>
      tpu.enqueue_dma source(%arg17 : memref<80x128xf32, #tpu.memory_space<vmem>>) target(%dma_start3A_95 : memref<80x128xf32, #tpu.memory_space<vmem_shared>>) target_semaphore(%run_scoped3A : memref<!tpu.dma_semaphore, #tpu.memory_space<semaphore_mem>>)
      %dma_wait3A_96 = arith.constant 0 : i32
      %dma_wait3A_97 = tpu.memref_slice %arg18[%add3A_37, %dma_wait3A_96] : memref<10000x128xf32, #tpu.memory_space<vmem_shared>> -> memref<80x128xf32, #tpu.memory_space<vmem_shared>>
      %dma_wait3A_98 = arith.constant 0 : i32
      %dma_wait3A_99 = tpu.memref_slice %arg18[%add3A_37, %dma_wait3A_98] : memref<10000x128xf32, #tpu.memory_space<vmem_shared>> -> memref<80x128xf32, #tpu.memory_space<vmem_shared>>
      tpu.wait_dma2 semaphore(%run_scoped3A : memref<!tpu.dma_semaphore, #tpu.memory_space<semaphore_mem>>) src(%arg17 : memref<80x128xf32, #tpu.memory_space<vmem>>) dst(%dma_wait3A_99 : memref<80x128xf32, #tpu.memory_space<vmem_shared>>)
      tpu.yield
    }) : () -> ()
    %mul3A_38 = arith.constant 624 : i32
    %mul3A_39 = arith.muli %arg1, %mul3A_38 : i32
    %add3A_40 = arith.constant 240 : i32
    %add3A_41 = arith.addi %mul3A_39, %add3A_40 : i32
    "tpu.region"() ({
      %run_scoped3A = tpu.sem_alloc : memref<!tpu.dma_semaphore, #tpu.memory_space<semaphore_mem>>
      %dma_start3A_92 = arith.constant 0 : i32
      %dma_start3A_93 = tpu.memref_slice %arg18[%add3A_41, %dma_start3A_92] : memref<10000x128xf32, #tpu.memory_space<vmem_shared>> -> memref<80x128xf32, #tpu.memory_space<vmem_shared>>
      %dma_start3A_94 = arith.constant 0 : i32
      %dma_start3A_95 = tpu.memref_slice %arg18[%add3A_41, %dma_start3A_94] : memref<10000x128xf32, #tpu.memory_space<vmem_shared>> -> memref<80x128xf32, #tpu.memory_space<vmem_shared>>
      tpu.enqueue_dma source(%arg17 : memref<80x128xf32, #tpu.memory_space<vmem>>) target(%dma_start3A_95 : memref<80x128xf32, #tpu.memory_space<vmem_shared>>) target_semaphore(%run_scoped3A : memref<!tpu.dma_semaphore, #tpu.memory_space<semaphore_mem>>)
      %dma_wait3A_96 = arith.constant 0 : i32
      %dma_wait3A_97 = tpu.memref_slice %arg18[%add3A_41, %dma_wait3A_96] : memref<10000x128xf32, #tpu.memory_space<vmem_shared>> -> memref<80x128xf32, #tpu.memory_space<vmem_shared>>
      %dma_wait3A_98 = arith.constant 0 : i32
      %dma_wait3A_99 = tpu.memref_slice %arg18[%add3A_41, %dma_wait3A_98] : memref<10000x128xf32, #tpu.memory_space<vmem_shared>> -> memref<80x128xf32, #tpu.memory_space<vmem_shared>>
      tpu.wait_dma2 semaphore(%run_scoped3A : memref<!tpu.dma_semaphore, #tpu.memory_space<semaphore_mem>>) src(%arg17 : memref<80x128xf32, #tpu.memory_space<vmem>>) dst(%dma_wait3A_99 : memref<80x128xf32, #tpu.memory_space<vmem_shared>>)
      tpu.yield
    }) : () -> ()
    %mul3A_42 = arith.constant 624 : i32
    %mul3A_43 = arith.muli %arg1, %mul3A_42 : i32
    %add3A_44 = arith.constant 320 : i32
    %add3A_45 = arith.addi %mul3A_43, %add3A_44 : i32
    "tpu.region"() ({
      %run_scoped3A = tpu.sem_alloc : memref<!tpu.dma_semaphore, #tpu.memory_space<semaphore_mem>>
      %dma_start3A_92 = arith.constant 0 : i32
      %dma_start3A_93 = tpu.memref_slice %arg18[%add3A_45, %dma_start3A_92] : memref<10000x128xf32, #tpu.memory_space<vmem_shared>> -> memref<80x128xf32, #tpu.memory_space<vmem_shared>>
      %dma_start3A_94 = arith.constant 0 : i32
      %dma_start3A_95 = tpu.memref_slice %arg18[%add3A_45, %dma_start3A_94] : memref<10000x128xf32, #tpu.memory_space<vmem_shared>> -> memref<80x128xf32, #tpu.memory_space<vmem_shared>>
      tpu.enqueue_dma source(%arg17 : memref<80x128xf32, #tpu.memory_space<vmem>>) target(%dma_start3A_95 : memref<80x128xf32, #tpu.memory_space<vmem_shared>>) target_semaphore(%run_scoped3A : memref<!tpu.dma_semaphore, #tpu.memory_space<semaphore_mem>>)
      %dma_wait3A_96 = arith.constant 0 : i32
      %dma_wait3A_97 = tpu.memref_slice %arg18[%add3A_45, %dma_wait3A_96] : memref<10000x128xf32, #tpu.memory_space<vmem_shared>> -> memref<80x128xf32, #tpu.memory_space<vmem_shared>>
      %dma_wait3A_98 = arith.constant 0 : i32
      %dma_wait3A_99 = tpu.memref_slice %arg18[%add3A_45, %dma_wait3A_98] : memref<10000x128xf32, #tpu.memory_space<vmem_shared>> -> memref<80x128xf32, #tpu.memory_space<vmem_shared>>
      tpu.wait_dma2 semaphore(%run_scoped3A : memref<!tpu.dma_semaphore, #tpu.memory_space<semaphore_mem>>) src(%arg17 : memref<80x128xf32, #tpu.memory_space<vmem>>) dst(%dma_wait3A_99 : memref<80x128xf32, #tpu.memory_space<vmem_shared>>)
      tpu.yield
    }) : () -> ()
    %mul3A_46 = arith.constant 624 : i32
    %mul3A_47 = arith.muli %arg1, %mul3A_46 : i32
    %add3A_48 = arith.constant 400 : i32
    %add3A_49 = arith.addi %mul3A_47, %add3A_48 : i32
    "tpu.region"() ({
      %run_scoped3A = tpu.sem_alloc : memref<!tpu.dma_semaphore, #tpu.memory_space<semaphore_mem>>
      %dma_start3A_92 = arith.constant 0 : i32
      %dma_start3A_93 = tpu.memref_slice %arg18[%add3A_49, %dma_start3A_92] : memref<10000x128xf32, #tpu.memory_space<vmem_shared>> -> memref<80x128xf32, #tpu.memory_space<vmem_shared>>
      %dma_start3A_94 = arith.constant 0 : i32
      %dma_start3A_95 = tpu.memref_slice %arg18[%add3A_49, %dma_start3A_94] : memref<10000x128xf32, #tpu.memory_space<vmem_shared>> -> memref<80x128xf32, #tpu.memory_space<vmem_shared>>
      tpu.enqueue_dma source(%arg17 : memref<80x128xf32, #tpu.memory_space<vmem>>) target(%dma_start3A_95 : memref<80x128xf32, #tpu.memory_space<vmem_shared>>) target_semaphore(%run_scoped3A : memref<!tpu.dma_semaphore, #tpu.memory_space<semaphore_mem>>)
      %dma_wait3A_96 = arith.constant 0 : i32
      %dma_wait3A_97 = tpu.memref_slice %arg18[%add3A_49, %dma_wait3A_96] : memref<10000x128xf32, #tpu.memory_space<vmem_shared>> -> memref<80x128xf32, #tpu.memory_space<vmem_shared>>
      %dma_wait3A_98 = arith.constant 0 : i32
      %dma_wait3A_99 = tpu.memref_slice %arg18[%add3A_49, %dma_wait3A_98] : memref<10000x128xf32, #tpu.memory_space<vmem_shared>> -> memref<80x128xf32, #tpu.memory_space<vmem_shared>>
      tpu.wait_dma2 semaphore(%run_scoped3A : memref<!tpu.dma_semaphore, #tpu.memory_space<semaphore_mem>>) src(%arg17 : memref<80x128xf32, #tpu.memory_space<vmem>>) dst(%dma_wait3A_99 : memref<80x128xf32, #tpu.memory_space<vmem_shared>>)
      tpu.yield
    }) : () -> ()
    %mul3A_50 = arith.constant 624 : i32
    %mul3A_51 = arith.muli %arg1, %mul3A_50 : i32
    %add3A_52 = arith.constant 480 : i32
    %add3A_53 = arith.addi %mul3A_51, %add3A_52 : i32
    "tpu.region"() ({
      %run_scoped3A = tpu.sem_alloc : memref<!tpu.dma_semaphore, #tpu.memory_space<semaphore_mem>>
      %dma_start3A_92 = arith.constant 0 : i32
      %dma_start3A_93 = tpu.memref_slice %arg18[%add3A_53, %dma_start3A_92] : memref<10000x128xf32, #tpu.memory_space<vmem_shared>> -> memref<80x128xf32, #tpu.memory_space<vmem_shared>>
      %dma_start3A_94 = arith.constant 0 : i32
      %dma_start3A_95 = tpu.memref_slice %arg18[%add3A_53, %dma_start3A_94] : memref<10000x128xf32, #tpu.memory_space<vmem_shared>> -> memref<80x128xf32, #tpu.memory_space<vmem_shared>>
      tpu.enqueue_dma source(%arg17 : memref<80x128xf32, #tpu.memory_space<vmem>>) target(%dma_start3A_95 : memref<80x128xf32, #tpu.memory_space<vmem_shared>>) target_semaphore(%run_scoped3A : memref<!tpu.dma_semaphore, #tpu.memory_space<semaphore_mem>>)
      %dma_wait3A_96 = arith.constant 0 : i32
      %dma_wait3A_97 = tpu.memref_slice %arg18[%add3A_53, %dma_wait3A_96] : memref<10000x128xf32, #tpu.memory_space<vmem_shared>> -> memref<80x128xf32, #tpu.memory_space<vmem_shared>>
      %dma_wait3A_98 = arith.constant 0 : i32
      %dma_wait3A_99 = tpu.memref_slice %arg18[%add3A_53, %dma_wait3A_98] : memref<10000x128xf32, #tpu.memory_space<vmem_shared>> -> memref<80x128xf32, #tpu.memory_space<vmem_shared>>
      tpu.wait_dma2 semaphore(%run_scoped3A : memref<!tpu.dma_semaphore, #tpu.memory_space<semaphore_mem>>) src(%arg17 : memref<80x128xf32, #tpu.memory_space<vmem>>) dst(%dma_wait3A_99 : memref<80x128xf32, #tpu.memory_space<vmem_shared>>)
      tpu.yield
    }) : () -> ()
    %mul3A_54 = arith.constant 624 : i32
    %mul3A_55 = arith.muli %arg1, %mul3A_54 : i32
    %add3A_56 = arith.constant 560 : i32
    %add3A_57 = arith.addi %mul3A_55, %add3A_56 : i32
    "tpu.region"() ({
      %run_scoped3A = tpu.sem_alloc : memref<!tpu.dma_semaphore, #tpu.memory_space<semaphore_mem>>
      %dma_start3A_92 = arith.constant 0 : i32
      %dma_start3A_93 = arith.constant 0 : i32
      %dma_start3A_94 = tpu.memref_slice %arg17[%dma_start3A_92, %dma_start3A_93] : memref<80x128xf32, #tpu.memory_space<vmem>> -> memref<64x128xf32, #tpu.memory_space<vmem>>
      %dma_start3A_95 = arith.constant 0 : i32
      %dma_start3A_96 = tpu.memref_slice %arg18[%add3A_57, %dma_start3A_95] : memref<10000x128xf32, #tpu.memory_space<vmem_shared>> -> memref<64x128xf32, #tpu.memory_space<vmem_shared>>
      %dma_start3A_97 = arith.constant 0 : i32
      %dma_start3A_98 = tpu.memref_slice %arg18[%add3A_57, %dma_start3A_97] : memref<10000x128xf32, #tpu.memory_space<vmem_shared>> -> memref<64x128xf32, #tpu.memory_space<vmem_shared>>
      %dma_start3A_99 = arith.constant 0 : i32
      %dma_start3A_100 = arith.constant 0 : i32
      %dma_start3A_101 = tpu.memref_slice %arg17[%dma_start3A_99, %dma_start3A_100] : memref<80x128xf32, #tpu.memory_space<vmem>> -> memref<64x128xf32, #tpu.memory_space<vmem>>
      tpu.enqueue_dma source(%dma_start3A_101 : memref<64x128xf32, #tpu.memory_space<vmem>>) target(%dma_start3A_98 : memref<64x128xf32, #tpu.memory_space<vmem_shared>>) target_semaphore(%run_scoped3A : memref<!tpu.dma_semaphore, #tpu.memory_space<semaphore_mem>>)
      %dma_wait3A_102 = arith.constant 0 : i32
      %dma_wait3A_103 = arith.constant 0 : i32
      %dma_wait3A_104 = tpu.memref_slice %arg17[%dma_wait3A_102, %dma_wait3A_103] : memref<80x128xf32, #tpu.memory_space<vmem>> -> memref<64x128xf32, #tpu.memory_space<vmem>>
      %dma_wait3A_105 = arith.constant 0 : i32
      %dma_wait3A_106 = tpu.memref_slice %arg18[%add3A_57, %dma_wait3A_105] : memref<10000x128xf32, #tpu.memory_space<vmem_shared>> -> memref<64x128xf32, #tpu.memory_space<vmem_shared>>
      %dma_wait3A_107 = arith.constant 0 : i32
      %dma_wait3A_108 = tpu.memref_slice %arg18[%add3A_57, %dma_wait3A_107] : memref<10000x128xf32, #tpu.memory_space<vmem_shared>> -> memref<64x128xf32, #tpu.memory_space<vmem_shared>>
      %dma_wait3A_109 = arith.constant 0 : i32
      %dma_wait3A_110 = arith.constant 0 : i32
      %dma_wait3A_111 = tpu.memref_slice %arg17[%dma_wait3A_109, %dma_wait3A_110] : memref<80x128xf32, #tpu.memory_space<vmem>> -> memref<64x128xf32, #tpu.memory_space<vmem>>
      tpu.wait_dma2 semaphore(%run_scoped3A : memref<!tpu.dma_semaphore, #tpu.memory_space<semaphore_mem>>) src(%dma_wait3A_111 : memref<64x128xf32, #tpu.memory_space<vmem>>) dst(%dma_wait3A_108 : memref<64x128xf32, #tpu.memory_space<vmem_shared>>)
      tpu.yield
    }) : () -> ()
    %eq3A = arith.constant 0 : i32
    %eq3A_58 = arith.cmpi eq, %arg1, %eq3A : i32
    %convert_element_type3A = arith.extui %eq3A_58 : i1 to i32
    %cond3A = arith.constant 0 : i32
    %cond3A_59 = arith.cmpi ne, %convert_element_type3A, %cond3A : i32
    scf.if %cond3A_59 {
      "tpu.region"() ({
        %run_scoped3A = tpu.sem_alloc : memref<!tpu.dma_semaphore, #tpu.memory_space<semaphore_mem>>
        %dma_start3A_92 = arith.constant 0 : i32
        %dma_start3A_93 = arith.constant 0 : i32
        %dma_start3A_94 = tpu.memref_slice %arg17[%dma_start3A_92, %dma_start3A_93] : memref<80x128xf32, #tpu.memory_space<vmem>> -> memref<16x128xf32, #tpu.memory_space<vmem>>
        %dma_start3A_95 = arith.constant 9984 : i32
        %dma_start3A_96 = arith.constant 0 : i32
        %dma_start3A_97 = tpu.memref_slice %arg18[%dma_start3A_95, %dma_start3A_96] : memref<10000x128xf32, #tpu.memory_space<vmem_shared>> -> memref<16x128xf32, #tpu.memory_space<vmem_shared>>
        %dma_start3A_98 = arith.constant 9984 : i32
        %dma_start3A_99 = arith.constant 0 : i32
        %dma_start3A_100 = tpu.memref_slice %arg18[%dma_start3A_98, %dma_start3A_99] : memref<10000x128xf32, #tpu.memory_space<vmem_shared>> -> memref<16x128xf32, #tpu.memory_space<vmem_shared>>
        %dma_start3A_101 = arith.constant 0 : i32
        %dma_start3A_102 = arith.constant 0 : i32
        %dma_start3A_103 = tpu.memref_slice %arg17[%dma_start3A_101, %dma_start3A_102] : memref<80x128xf32, #tpu.memory_space<vmem>> -> memref<16x128xf32, #tpu.memory_space<vmem>>
        tpu.enqueue_dma source(%dma_start3A_103 : memref<16x128xf32, #tpu.memory_space<vmem>>) target(%dma_start3A_100 : memref<16x128xf32, #tpu.memory_space<vmem_shared>>) target_semaphore(%run_scoped3A : memref<!tpu.dma_semaphore, #tpu.memory_space<semaphore_mem>>)
        %dma_wait3A_104 = arith.constant 0 : i32
        %dma_wait3A_105 = arith.constant 0 : i32
        %dma_wait3A_106 = tpu.memref_slice %arg17[%dma_wait3A_104, %dma_wait3A_105] : memref<80x128xf32, #tpu.memory_space<vmem>> -> memref<16x128xf32, #tpu.memory_space<vmem>>
        %dma_wait3A_107 = arith.constant 9984 : i32
        %dma_wait3A_108 = arith.constant 0 : i32
        %dma_wait3A_109 = tpu.memref_slice %arg18[%dma_wait3A_107, %dma_wait3A_108] : memref<10000x128xf32, #tpu.memory_space<vmem_shared>> -> memref<16x128xf32, #tpu.memory_space<vmem_shared>>
        %dma_wait3A_110 = arith.constant 9984 : i32
        %dma_wait3A_111 = arith.constant 0 : i32
        %dma_wait3A_112 = tpu.memref_slice %arg18[%dma_wait3A_110, %dma_wait3A_111] : memref<10000x128xf32, #tpu.memory_space<vmem_shared>> -> memref<16x128xf32, #tpu.memory_space<vmem_shared>>
        %dma_wait3A_113 = arith.constant 0 : i32
        %dma_wait3A_114 = arith.constant 0 : i32
        %dma_wait3A_115 = tpu.memref_slice %arg17[%dma_wait3A_113, %dma_wait3A_114] : memref<80x128xf32, #tpu.memory_space<vmem>> -> memref<16x128xf32, #tpu.memory_space<vmem>>
        tpu.wait_dma2 semaphore(%run_scoped3A : memref<!tpu.dma_semaphore, #tpu.memory_space<semaphore_mem>>) src(%dma_wait3A_115 : memref<16x128xf32, #tpu.memory_space<vmem>>) dst(%dma_wait3A_112 : memref<16x128xf32, #tpu.memory_space<vmem_shared>>)
        tpu.yield
      }) : () -> ()
    } else {
    }
    %barrier3A = arith.constant 0 : index
    tpu.barrier barrier_id(%barrier3A)
    %scan3A_60 = arith.constant 0 : i32
    %scan3A_61 = arith.constant 31 : i32
    %scan3A_62 = arith.addi %scan3A_60, %scan3A_61 : i32
    %scan3A_63 = arith.constant 1 : i32
    scf.for %scan3A_92 = %scan3A_60 to %scan3A_62 step %scan3A_63  : i32 {
      %mul3A_93 = arith.constant 1 : i32
      %mul3A_94 = arith.muli %scan3A_92, %mul3A_93 : i32
      %add3A_95 = arith.constant 0 : i32
      %add3A_96 = arith.addi %add3A_95, %mul3A_94 : i32
      %mul3A_97 = arith.constant 4 : i32
      %mul3A_98 = arith.muli %add3A_96, %mul3A_97 : i32
      %add3A_99 = arith.constant 0 : i32
      %add3A_100 = arith.addi %mul3A_98, %add3A_99 : i32
      %dma_wait3A_101 = arith.constant 0 : i32
      %dma_wait3A_102 = arith.constant 0 : i32
      %dma_wait3A_103 = tpu.memref_slice %arg2[%dma_wait3A_101, %dma_wait3A_102] : memref<80000x128xf32, #tpu.memory_space<hbm>> -> memref<80000x128xf32, #tpu.memory_space<hbm>>
      tpu.wait_indirect_dma semaphore(%arg23 : memref<!tpu.dma_semaphore, #tpu.memory_space<semaphore_mem>>) src(%dma_wait3A_103 : memref<80000x128xf32, #tpu.memory_space<hbm>>) dst(%arg14 : memref<80x128xf32, #tpu.memory_space<vmem>>)
      %dma_start3A_104 = arith.constant 0 : i32
      %dma_start3A_105 = arith.constant 0 : i32
      %dma_start3A_106 = tpu.memref_slice %arg18[%dma_start3A_104, %dma_start3A_105] : memref<10000x128xf32, #tpu.memory_space<vmem_shared>> -> memref<10000x128xf32, #tpu.memory_space<vmem_shared>>
      tpu.enqueue_indirect_dma source(%arg14 : memref<80x128xf32, #tpu.memory_space<vmem>>) target(%dma_start3A_106 : memref<10000x128xf32, #tpu.memory_space<vmem_shared>>) offsets(%arg10 : memref<80xi32, #tpu.memory_space<vmem>>) semaphore(%arg27 : memref<!tpu.dma_semaphore, #tpu.memory_space<semaphore_mem>>) {add = true}
      %add3A_107 = arith.constant 2 : i32
      %add3A_108 = arith.addi %add3A_100, %add3A_107 : i32
      %add3A_109 = arith.constant 1 : i32
      %add3A_110 = arith.addi %add3A_108, %add3A_109 : i32
      %lt3A = arith.constant 125 : i32
      %lt3A_111 = arith.cmpi slt, %add3A_110, %lt3A : i32
      %convert_element_type3A_112 = arith.extui %lt3A_111 : i1 to i32
      %cond3A_113 = arith.constant 0 : i32
      %cond3A_114 = arith.cmpi ne, %convert_element_type3A_112, %cond3A_113 : i32
      scf.if %cond3A_114 {
        %ge3A = arith.constant 4 : i32
        %ge3A_200 = arith.cmpi sge, %add3A_110, %ge3A : i32
        %convert_element_type3A_201 = arith.extui %ge3A_200 : i1 to i32
        %cond3A_202 = arith.constant 0 : i32
        %cond3A_203 = arith.cmpi ne, %convert_element_type3A_201, %cond3A_202 : i32
        scf.if %cond3A_203 {
          %dma_wait3A_213 = arith.constant 0 : i32
          %dma_wait3A_214 = arith.constant 0 : i32
          %dma_wait3A_215 = tpu.memref_slice %arg18[%dma_wait3A_213, %dma_wait3A_214] : memref<10000x128xf32, #tpu.memory_space<vmem_shared>> -> memref<10000x128xf32, #tpu.memory_space<vmem_shared>>
          tpu.wait_indirect_dma semaphore(%arg30 : memref<!tpu.dma_semaphore, #tpu.memory_space<semaphore_mem>>) src(%arg17 : memref<80x128xf32, #tpu.memory_space<vmem>>) dst(%dma_wait3A_215 : memref<10000x128xf32, #tpu.memory_space<vmem_shared>>)
        } else {
        }
        %mul3A_204 = arith.constant 10000 : i32
        %mul3A_205 = arith.muli %add3A, %mul3A_204 : i32
        %mul3A_206 = arith.constant 80 : i32
        %mul3A_207 = arith.muli %add3A_110, %mul3A_206 : i32
        %add3A_208 = arith.addi %mul3A_205, %mul3A_207 : i32
        %dma_start3A_209 = tpu.memref_slice %arg3[%add3A_208] : memref<320000xi32, #tpu.memory_space<hbm>> -> memref<80xi32, #tpu.memory_space<hbm>>
        %dma_start3A_210 = tpu.memref_slice %arg3[%add3A_208] : memref<320000xi32, #tpu.memory_space<hbm>> -> memref<80xi32, #tpu.memory_space<hbm>>
        tpu.enqueue_dma source(%dma_start3A_210 : memref<80xi32, #tpu.memory_space<hbm>>) target(%arg9 : memref<80xi32, #tpu.memory_space<vmem>>) target_semaphore(%arg22 : memref<!tpu.dma_semaphore, #tpu.memory_space<semaphore_mem>>)
        %dma_start3A_211 = tpu.memref_slice %arg4[%add3A_208] : memref<320000xi32, #tpu.memory_space<hbm>> -> memref<80xi32, #tpu.memory_space<hbm>>
        %dma_start3A_212 = tpu.memref_slice %arg4[%add3A_208] : memref<320000xi32, #tpu.memory_space<hbm>> -> memref<80xi32, #tpu.memory_space<hbm>>
        tpu.enqueue_dma source(%dma_start3A_212 : memref<80xi32, #tpu.memory_space<hbm>>) target(%arg13 : memref<80xi32, #tpu.memory_space<vmem>>) target_semaphore(%arg22 : memref<!tpu.dma_semaphore, #tpu.memory_space<semaphore_mem>>)
      } else {
      }
      %add3A_115 = arith.constant 2 : i32
      %add3A_116 = arith.addi %add3A_100, %add3A_115 : i32
      %lt3A_117 = arith.constant 125 : i32
      %lt3A_118 = arith.cmpi slt, %add3A_116, %lt3A_117 : i32
      %convert_element_type3A_119 = arith.extui %lt3A_118 : i1 to i32
      %cond3A_120 = arith.constant 0 : i32
      %cond3A_121 = arith.cmpi ne, %convert_element_type3A_119, %cond3A_120 : i32
      scf.if %cond3A_121 {
        %mul3A_200 = arith.constant 10000 : i32
        %mul3A_201 = arith.muli %add3A, %mul3A_200 : i32
        %mul3A_202 = arith.constant 80 : i32
        %mul3A_203 = arith.muli %add3A_116, %mul3A_202 : i32
        %add3A_204 = arith.addi %mul3A_201, %mul3A_203 : i32
        %dma_wait3A_205 = tpu.memref_slice %arg3[%add3A_204] : memref<320000xi32, #tpu.memory_space<hbm>> -> memref<80xi32, #tpu.memory_space<hbm>>
        %dma_wait3A_206 = tpu.memref_slice %arg3[%add3A_204] : memref<320000xi32, #tpu.memory_space<hbm>> -> memref<80xi32, #tpu.memory_space<hbm>>
        tpu.wait_dma2 semaphore(%arg21 : memref<!tpu.dma_semaphore, #tpu.memory_space<semaphore_mem>>) src(%dma_wait3A_206 : memref<80xi32, #tpu.memory_space<hbm>>) dst(%arg8 : memref<80xi32, #tpu.memory_space<vmem>>)
        %dma_wait3A_207 = tpu.memref_slice %arg4[%add3A_204] : memref<320000xi32, #tpu.memory_space<hbm>> -> memref<80xi32, #tpu.memory_space<hbm>>
        %dma_wait3A_208 = tpu.memref_slice %arg4[%add3A_204] : memref<320000xi32, #tpu.memory_space<hbm>> -> memref<80xi32, #tpu.memory_space<hbm>>
        tpu.wait_dma2 semaphore(%arg21 : memref<!tpu.dma_semaphore, #tpu.memory_space<semaphore_mem>>) src(%dma_wait3A_208 : memref<80xi32, #tpu.memory_space<hbm>>) dst(%arg12 : memref<80xi32, #tpu.memory_space<vmem>>)
        %dma_start3A_209 = arith.constant 0 : i32
        %dma_start3A_210 = arith.constant 0 : i32
        %dma_start3A_211 = tpu.memref_slice %arg2[%dma_start3A_209, %dma_start3A_210] : memref<80000x128xf32, #tpu.memory_space<hbm>> -> memref<80000x128xf32, #tpu.memory_space<hbm>>
        tpu.enqueue_indirect_dma source(%dma_start3A_211 : memref<80000x128xf32, #tpu.memory_space<hbm>>) target(%arg16 : memref<80x128xf32, #tpu.memory_space<vmem>>) offsets(%arg8 : memref<80xi32, #tpu.memory_space<vmem>>) semaphore(%arg25 : memref<!tpu.dma_semaphore, #tpu.memory_space<semaphore_mem>>)
      } else {
      }
      %mul3A_122 = arith.constant 4 : i32
      %mul3A_123 = arith.muli %add3A_96, %mul3A_122 : i32
      %add3A_124 = arith.constant 1 : i32
      %add3A_125 = arith.addi %mul3A_123, %add3A_124 : i32
      %dma_wait3A_126 = arith.constant 0 : i32
      %dma_wait3A_127 = arith.constant 0 : i32
      %dma_wait3A_128 = tpu.memref_slice %arg2[%dma_wait3A_126, %dma_wait3A_127] : memref<80000x128xf32, #tpu.memory_space<hbm>> -> memref<80000x128xf32, #tpu.memory_space<hbm>>
      tpu.wait_indirect_dma semaphore(%arg24 : memref<!tpu.dma_semaphore, #tpu.memory_space<semaphore_mem>>) src(%dma_wait3A_128 : memref<80000x128xf32, #tpu.memory_space<hbm>>) dst(%arg15 : memref<80x128xf32, #tpu.memory_space<vmem>>)
      %dma_start3A_129 = arith.constant 0 : i32
      %dma_start3A_130 = arith.constant 0 : i32
      %dma_start3A_131 = tpu.memref_slice %arg18[%dma_start3A_129, %dma_start3A_130] : memref<10000x128xf32, #tpu.memory_space<vmem_shared>> -> memref<10000x128xf32, #tpu.memory_space<vmem_shared>>
      tpu.enqueue_indirect_dma source(%arg15 : memref<80x128xf32, #tpu.memory_space<vmem>>) target(%dma_start3A_131 : memref<10000x128xf32, #tpu.memory_space<vmem_shared>>) offsets(%arg11 : memref<80xi32, #tpu.memory_space<vmem>>) semaphore(%arg28 : memref<!tpu.dma_semaphore, #tpu.memory_space<semaphore_mem>>) {add = true}
      %add3A_132 = arith.constant 2 : i32
      %add3A_133 = arith.addi %add3A_125, %add3A_132 : i32
      %add3A_134 = arith.constant 1 : i32
      %add3A_135 = arith.addi %add3A_133, %add3A_134 : i32
      %lt3A_136 = arith.constant 125 : i32
      %lt3A_137 = arith.cmpi slt, %add3A_135, %lt3A_136 : i32
      %convert_element_type3A_138 = arith.extui %lt3A_137 : i1 to i32
      %cond3A_139 = arith.constant 0 : i32
      %cond3A_140 = arith.cmpi ne, %convert_element_type3A_138, %cond3A_139 : i32
      scf.if %cond3A_140 {
        %ge3A = arith.constant 4 : i32
        %ge3A_200 = arith.cmpi sge, %add3A_135, %ge3A : i32
        %convert_element_type3A_201 = arith.extui %ge3A_200 : i1 to i32
        %cond3A_202 = arith.constant 0 : i32
        %cond3A_203 = arith.cmpi ne, %convert_element_type3A_201, %cond3A_202 : i32
        scf.if %cond3A_203 {
          %dma_wait3A_213 = arith.constant 0 : i32
          %dma_wait3A_214 = arith.constant 0 : i32
          %dma_wait3A_215 = tpu.memref_slice %arg18[%dma_wait3A_213, %dma_wait3A_214] : memref<10000x128xf32, #tpu.memory_space<vmem_shared>> -> memref<10000x128xf32, #tpu.memory_space<vmem_shared>>
          tpu.wait_indirect_dma semaphore(%arg27 : memref<!tpu.dma_semaphore, #tpu.memory_space<semaphore_mem>>) src(%arg14 : memref<80x128xf32, #tpu.memory_space<vmem>>) dst(%dma_wait3A_215 : memref<10000x128xf32, #tpu.memory_space<vmem_shared>>)
        } else {
        }
        %mul3A_204 = arith.constant 10000 : i32
        %mul3A_205 = arith.muli %add3A, %mul3A_204 : i32
        %mul3A_206 = arith.constant 80 : i32
        %mul3A_207 = arith.muli %add3A_135, %mul3A_206 : i32
        %add3A_208 = arith.addi %mul3A_205, %mul3A_207 : i32
        %dma_start3A_209 = tpu.memref_slice %arg3[%add3A_208] : memref<320000xi32, #tpu.memory_space<hbm>> -> memref<80xi32, #tpu.memory_space<hbm>>
        %dma_start3A_210 = tpu.memref_slice %arg3[%add3A_208] : memref<320000xi32, #tpu.memory_space<hbm>> -> memref<80xi32, #tpu.memory_space<hbm>>
        tpu.enqueue_dma source(%dma_start3A_210 : memref<80xi32, #tpu.memory_space<hbm>>) target(%arg6 : memref<80xi32, #tpu.memory_space<vmem>>) target_semaphore(%arg19 : memref<!tpu.dma_semaphore, #tpu.memory_space<semaphore_mem>>)
        %dma_start3A_211 = tpu.memref_slice %arg4[%add3A_208] : memref<320000xi32, #tpu.memory_space<hbm>> -> memref<80xi32, #tpu.memory_space<hbm>>
        %dma_start3A_212 = tpu.memref_slice %arg4[%add3A_208] : memref<320000xi32, #tpu.memory_space<hbm>> -> memref<80xi32, #tpu.memory_space<hbm>>
        tpu.enqueue_dma source(%dma_start3A_212 : memref<80xi32, #tpu.memory_space<hbm>>) target(%arg10 : memref<80xi32, #tpu.memory_space<vmem>>) target_semaphore(%arg19 : memref<!tpu.dma_semaphore, #tpu.memory_space<semaphore_mem>>)
      } else {
      }
      %add3A_141 = arith.constant 2 : i32
      %add3A_142 = arith.addi %add3A_125, %add3A_141 : i32
      %lt3A_143 = arith.constant 125 : i32
      %lt3A_144 = arith.cmpi slt, %add3A_142, %lt3A_143 : i32
      %convert_element_type3A_145 = arith.extui %lt3A_144 : i1 to i32
      %cond3A_146 = arith.constant 0 : i32
      %cond3A_147 = arith.cmpi ne, %convert_element_type3A_145, %cond3A_146 : i32
      scf.if %cond3A_147 {
        %mul3A_200 = arith.constant 10000 : i32
        %mul3A_201 = arith.muli %add3A, %mul3A_200 : i32
        %mul3A_202 = arith.constant 80 : i32
        %mul3A_203 = arith.muli %add3A_142, %mul3A_202 : i32
        %add3A_204 = arith.addi %mul3A_201, %mul3A_203 : i32
        %dma_wait3A_205 = tpu.memref_slice %arg3[%add3A_204] : memref<320000xi32, #tpu.memory_space<hbm>> -> memref<80xi32, #tpu.memory_space<hbm>>
        %dma_wait3A_206 = tpu.memref_slice %arg3[%add3A_204] : memref<320000xi32, #tpu.memory_space<hbm>> -> memref<80xi32, #tpu.memory_space<hbm>>
        tpu.wait_dma2 semaphore(%arg22 : memref<!tpu.dma_semaphore, #tpu.memory_space<semaphore_mem>>) src(%dma_wait3A_206 : memref<80xi32, #tpu.memory_space<hbm>>) dst(%arg9 : memref<80xi32, #tpu.memory_space<vmem>>)
        %dma_wait3A_207 = tpu.memref_slice %arg4[%add3A_204] : memref<320000xi32, #tpu.memory_space<hbm>> -> memref<80xi32, #tpu.memory_space<hbm>>
        %dma_wait3A_208 = tpu.memref_slice %arg4[%add3A_204] : memref<320000xi32, #tpu.memory_space<hbm>> -> memref<80xi32, #tpu.memory_space<hbm>>
        tpu.wait_dma2 semaphore(%arg22 : memref<!tpu.dma_semaphore, #tpu.memory_space<semaphore_mem>>) src(%dma_wait3A_208 : memref<80xi32, #tpu.memory_space<hbm>>) dst(%arg13 : memref<80xi32, #tpu.memory_space<vmem>>)
        %dma_start3A_209 = arith.constant 0 : i32
        %dma_start3A_210 = arith.constant 0 : i32
        %dma_start3A_211 = tpu.memref_slice %arg2[%dma_start3A_209, %dma_start3A_210] : memref<80000x128xf32, #tpu.memory_space<hbm>> -> memref<80000x128xf32, #tpu.memory_space<hbm>>
        tpu.enqueue_indirect_dma source(%dma_start3A_211 : memref<80000x128xf32, #tpu.memory_space<hbm>>) target(%arg17 : memref<80x128xf32, #tpu.memory_space<vmem>>) offsets(%arg9 : memref<80xi32, #tpu.memory_space<vmem>>) semaphore(%arg26 : memref<!tpu.dma_semaphore, #tpu.memory_space<semaphore_mem>>)
      } else {
      }
      %mul3A_148 = arith.constant 4 : i32
      %mul3A_149 = arith.muli %add3A_96, %mul3A_148 : i32
      %add3A_150 = arith.constant 2 : i32
      %add3A_151 = arith.addi %mul3A_149, %add3A_150 : i32
      %dma_wait3A_152 = arith.constant 0 : i32
      %dma_wait3A_153 = arith.constant 0 : i32
      %dma_wait3A_154 = tpu.memref_slice %arg2[%dma_wait3A_152, %dma_wait3A_153] : memref<80000x128xf32, #tpu.memory_space<hbm>> -> memref<80000x128xf32, #tpu.memory_space<hbm>>
      tpu.wait_indirect_dma semaphore(%arg25 : memref<!tpu.dma_semaphore, #tpu.memory_space<semaphore_mem>>) src(%dma_wait3A_154 : memref<80000x128xf32, #tpu.memory_space<hbm>>) dst(%arg16 : memref<80x128xf32, #tpu.memory_space<vmem>>)
      %dma_start3A_155 = arith.constant 0 : i32
      %dma_start3A_156 = arith.constant 0 : i32
      %dma_start3A_157 = tpu.memref_slice %arg18[%dma_start3A_155, %dma_start3A_156] : memref<10000x128xf32, #tpu.memory_space<vmem_shared>> -> memref<10000x128xf32, #tpu.memory_space<vmem_shared>>
      tpu.enqueue_indirect_dma source(%arg16 : memref<80x128xf32, #tpu.memory_space<vmem>>) target(%dma_start3A_157 : memref<10000x128xf32, #tpu.memory_space<vmem_shared>>) offsets(%arg12 : memref<80xi32, #tpu.memory_space<vmem>>) semaphore(%arg29 : memref<!tpu.dma_semaphore, #tpu.memory_space<semaphore_mem>>) {add = true}
      %add3A_158 = arith.constant 2 : i32
      %add3A_159 = arith.addi %add3A_151, %add3A_158 : i32
      %add3A_160 = arith.constant 1 : i32
      %add3A_161 = arith.addi %add3A_159, %add3A_160 : i32
      %lt3A_162 = arith.constant 125 : i32
      %lt3A_163 = arith.cmpi slt, %add3A_161, %lt3A_162 : i32
      %convert_element_type3A_164 = arith.extui %lt3A_163 : i1 to i32
      %cond3A_165 = arith.constant 0 : i32
      %cond3A_166 = arith.cmpi ne, %convert_element_type3A_164, %cond3A_165 : i32
      scf.if %cond3A_166 {
        %ge3A = arith.constant 4 : i32
        %ge3A_200 = arith.cmpi sge, %add3A_161, %ge3A : i32
        %convert_element_type3A_201 = arith.extui %ge3A_200 : i1 to i32
        %cond3A_202 = arith.constant 0 : i32
        %cond3A_203 = arith.cmpi ne, %convert_element_type3A_201, %cond3A_202 : i32
        scf.if %cond3A_203 {
          %dma_wait3A_213 = arith.constant 0 : i32
          %dma_wait3A_214 = arith.constant 0 : i32
          %dma_wait3A_215 = tpu.memref_slice %arg18[%dma_wait3A_213, %dma_wait3A_214] : memref<10000x128xf32, #tpu.memory_space<vmem_shared>> -> memref<10000x128xf32, #tpu.memory_space<vmem_shared>>
          tpu.wait_indirect_dma semaphore(%arg28 : memref<!tpu.dma_semaphore, #tpu.memory_space<semaphore_mem>>) src(%arg15 : memref<80x128xf32, #tpu.memory_space<vmem>>) dst(%dma_wait3A_215 : memref<10000x128xf32, #tpu.memory_space<vmem_shared>>)
        } else {
        }
        %mul3A_204 = arith.constant 10000 : i32
        %mul3A_205 = arith.muli %add3A, %mul3A_204 : i32
        %mul3A_206 = arith.constant 80 : i32
        %mul3A_207 = arith.muli %add3A_161, %mul3A_206 : i32
        %add3A_208 = arith.addi %mul3A_205, %mul3A_207 : i32
        %dma_start3A_209 = tpu.memref_slice %arg3[%add3A_208] : memref<320000xi32, #tpu.memory_space<hbm>> -> memref<80xi32, #tpu.memory_space<hbm>>
        %dma_start3A_210 = tpu.memref_slice %arg3[%add3A_208] : memref<320000xi32, #tpu.memory_space<hbm>> -> memref<80xi32, #tpu.memory_space<hbm>>
        tpu.enqueue_dma source(%dma_start3A_210 : memref<80xi32, #tpu.memory_space<hbm>>) target(%arg7 : memref<80xi32, #tpu.memory_space<vmem>>) target_semaphore(%arg20 : memref<!tpu.dma_semaphore, #tpu.memory_space<semaphore_mem>>)
        %dma_start3A_211 = tpu.memref_slice %arg4[%add3A_208] : memref<320000xi32, #tpu.memory_space<hbm>> -> memref<80xi32, #tpu.memory_space<hbm>>
        %dma_start3A_212 = tpu.memref_slice %arg4[%add3A_208] : memref<320000xi32, #tpu.memory_space<hbm>> -> memref<80xi32, #tpu.memory_space<hbm>>
        tpu.enqueue_dma source(%dma_start3A_212 : memref<80xi32, #tpu.memory_space<hbm>>) target(%arg11 : memref<80xi32, #tpu.memory_space<vmem>>) target_semaphore(%arg20 : memref<!tpu.dma_semaphore, #tpu.memory_space<semaphore_mem>>)
      } else {
      }
      %add3A_167 = arith.constant 2 : i32
      %add3A_168 = arith.addi %add3A_151, %add3A_167 : i32
      %lt3A_169 = arith.constant 125 : i32
      %lt3A_170 = arith.cmpi slt, %add3A_168, %lt3A_169 : i32
      %convert_element_type3A_171 = arith.extui %lt3A_170 : i1 to i32
      %cond3A_172 = arith.constant 0 : i32
      %cond3A_173 = arith.cmpi ne, %convert_element_type3A_171, %cond3A_172 : i32
      scf.if %cond3A_173 {
        %mul3A_200 = arith.constant 10000 : i32
        %mul3A_201 = arith.muli %add3A, %mul3A_200 : i32
        %mul3A_202 = arith.constant 80 : i32
        %mul3A_203 = arith.muli %add3A_168, %mul3A_202 : i32
        %add3A_204 = arith.addi %mul3A_201, %mul3A_203 : i32
        %dma_wait3A_205 = tpu.memref_slice %arg3[%add3A_204] : memref<320000xi32, #tpu.memory_space<hbm>> -> memref<80xi32, #tpu.memory_space<hbm>>
        %dma_wait3A_206 = tpu.memref_slice %arg3[%add3A_204] : memref<320000xi32, #tpu.memory_space<hbm>> -> memref<80xi32, #tpu.memory_space<hbm>>
        tpu.wait_dma2 semaphore(%arg19 : memref<!tpu.dma_semaphore, #tpu.memory_space<semaphore_mem>>) src(%dma_wait3A_206 : memref<80xi32, #tpu.memory_space<hbm>>) dst(%arg6 : memref<80xi32, #tpu.memory_space<vmem>>)
        %dma_wait3A_207 = tpu.memref_slice %arg4[%add3A_204] : memref<320000xi32, #tpu.memory_space<hbm>> -> memref<80xi32, #tpu.memory_space<hbm>>
        %dma_wait3A_208 = tpu.memref_slice %arg4[%add3A_204] : memref<320000xi32, #tpu.memory_space<hbm>> -> memref<80xi32, #tpu.memory_space<hbm>>
        tpu.wait_dma2 semaphore(%arg19 : memref<!tpu.dma_semaphore, #tpu.memory_space<semaphore_mem>>) src(%dma_wait3A_208 : memref<80xi32, #tpu.memory_space<hbm>>) dst(%arg10 : memref<80xi32, #tpu.memory_space<vmem>>)
        %dma_start3A_209 = arith.constant 0 : i32
        %dma_start3A_210 = arith.constant 0 : i32
        %dma_start3A_211 = tpu.memref_slice %arg2[%dma_start3A_209, %dma_start3A_210] : memref<80000x128xf32, #tpu.memory_space<hbm>> -> memref<80000x128xf32, #tpu.memory_space<hbm>>
        tpu.enqueue_indirect_dma source(%dma_start3A_211 : memref<80000x128xf32, #tpu.memory_space<hbm>>) target(%arg14 : memref<80x128xf32, #tpu.memory_space<vmem>>) offsets(%arg6 : memref<80xi32, #tpu.memory_space<vmem>>) semaphore(%arg23 : memref<!tpu.dma_semaphore, #tpu.memory_space<semaphore_mem>>)
      } else {
      }
      %mul3A_174 = arith.constant 4 : i32
      %mul3A_175 = arith.muli %add3A_96, %mul3A_174 : i32
      %add3A_176 = arith.constant 3 : i32
      %add3A_177 = arith.addi %mul3A_175, %add3A_176 : i32
      %dma_wait3A_178 = arith.constant 0 : i32
      %dma_wait3A_179 = arith.constant 0 : i32
      %dma_wait3A_180 = tpu.memref_slice %arg2[%dma_wait3A_178, %dma_wait3A_179] : memref<80000x128xf32, #tpu.memory_space<hbm>> -> memref<80000x128xf32, #tpu.memory_space<hbm>>
      tpu.wait_indirect_dma semaphore(%arg26 : memref<!tpu.dma_semaphore, #tpu.memory_space<semaphore_mem>>) src(%dma_wait3A_180 : memref<80000x128xf32, #tpu.memory_space<hbm>>) dst(%arg17 : memref<80x128xf32, #tpu.memory_space<vmem>>)
      %dma_start3A_181 = arith.constant 0 : i32
      %dma_start3A_182 = arith.constant 0 : i32
      %dma_start3A_183 = tpu.memref_slice %arg18[%dma_start3A_181, %dma_start3A_182] : memref<10000x128xf32, #tpu.memory_space<vmem_shared>> -> memref<10000x128xf32, #tpu.memory_space<vmem_shared>>
      tpu.enqueue_indirect_dma source(%arg17 : memref<80x128xf32, #tpu.memory_space<vmem>>) target(%dma_start3A_183 : memref<10000x128xf32, #tpu.memory_space<vmem_shared>>) offsets(%arg13 : memref<80xi32, #tpu.memory_space<vmem>>) semaphore(%arg30 : memref<!tpu.dma_semaphore, #tpu.memory_space<semaphore_mem>>) {add = true}
      %add3A_184 = arith.constant 2 : i32
      %add3A_185 = arith.addi %add3A_177, %add3A_184 : i32
      %add3A_186 = arith.constant 1 : i32
      %add3A_187 = arith.addi %add3A_185, %add3A_186 : i32
      %lt3A_188 = arith.constant 125 : i32
      %lt3A_189 = arith.cmpi slt, %add3A_187, %lt3A_188 : i32
      %convert_element_type3A_190 = arith.extui %lt3A_189 : i1 to i32
      %cond3A_191 = arith.constant 0 : i32
      %cond3A_192 = arith.cmpi ne, %convert_element_type3A_190, %cond3A_191 : i32
      scf.if %cond3A_192 {
        %ge3A = arith.constant 4 : i32
        %ge3A_200 = arith.cmpi sge, %add3A_187, %ge3A : i32
        %convert_element_type3A_201 = arith.extui %ge3A_200 : i1 to i32
        %cond3A_202 = arith.constant 0 : i32
        %cond3A_203 = arith.cmpi ne, %convert_element_type3A_201, %cond3A_202 : i32
        scf.if %cond3A_203 {
          %dma_wait3A_213 = arith.constant 0 : i32
          %dma_wait3A_214 = arith.constant 0 : i32
          %dma_wait3A_215 = tpu.memref_slice %arg18[%dma_wait3A_213, %dma_wait3A_214] : memref<10000x128xf32, #tpu.memory_space<vmem_shared>> -> memref<10000x128xf32, #tpu.memory_space<vmem_shared>>
          tpu.wait_indirect_dma semaphore(%arg29 : memref<!tpu.dma_semaphore, #tpu.memory_space<semaphore_mem>>) src(%arg16 : memref<80x128xf32, #tpu.memory_space<vmem>>) dst(%dma_wait3A_215 : memref<10000x128xf32, #tpu.memory_space<vmem_shared>>)
        } else {
        }
        %mul3A_204 = arith.constant 10000 : i32
        %mul3A_205 = arith.muli %add3A, %mul3A_204 : i32
        %mul3A_206 = arith.constant 80 : i32
        %mul3A_207 = arith.muli %add3A_187, %mul3A_206 : i32
        %add3A_208 = arith.addi %mul3A_205, %mul3A_207 : i32
        %dma_start3A_209 = tpu.memref_slice %arg3[%add3A_208] : memref<320000xi32, #tpu.memory_space<hbm>> -> memref<80xi32, #tpu.memory_space<hbm>>
        %dma_start3A_210 = tpu.memref_slice %arg3[%add3A_208] : memref<320000xi32, #tpu.memory_space<hbm>> -> memref<80xi32, #tpu.memory_space<hbm>>
        tpu.enqueue_dma source(%dma_start3A_210 : memref<80xi32, #tpu.memory_space<hbm>>) target(%arg8 : memref<80xi32, #tpu.memory_space<vmem>>) target_semaphore(%arg21 : memref<!tpu.dma_semaphore, #tpu.memory_space<semaphore_mem>>)
        %dma_start3A_211 = tpu.memref_slice %arg4[%add3A_208] : memref<320000xi32, #tpu.memory_space<hbm>> -> memref<80xi32, #tpu.memory_space<hbm>>
        %dma_start3A_212 = tpu.memref_slice %arg4[%add3A_208] : memref<320000xi32, #tpu.memory_space<hbm>> -> memref<80xi32, #tpu.memory_space<hbm>>
        tpu.enqueue_dma source(%dma_start3A_212 : memref<80xi32, #tpu.memory_space<hbm>>) target(%arg12 : memref<80xi32, #tpu.memory_space<vmem>>) target_semaphore(%arg21 : memref<!tpu.dma_semaphore, #tpu.memory_space<semaphore_mem>>)
      } else {
      }
      %add3A_193 = arith.constant 2 : i32
      %add3A_194 = arith.addi %add3A_177, %add3A_193 : i32
      %lt3A_195 = arith.constant 125 : i32
      %lt3A_196 = arith.cmpi slt, %add3A_194, %lt3A_195 : i32
      %convert_element_type3A_197 = arith.extui %lt3A_196 : i1 to i32
      %cond3A_198 = arith.constant 0 : i32
      %cond3A_199 = arith.cmpi ne, %convert_element_type3A_197, %cond3A_198 : i32
      scf.if %cond3A_199 {
        %mul3A_200 = arith.constant 10000 : i32
        %mul3A_201 = arith.muli %add3A, %mul3A_200 : i32
        %mul3A_202 = arith.constant 80 : i32
        %mul3A_203 = arith.muli %add3A_194, %mul3A_202 : i32
        %add3A_204 = arith.addi %mul3A_201, %mul3A_203 : i32
        %dma_wait3A_205 = tpu.memref_slice %arg3[%add3A_204] : memref<320000xi32, #tpu.memory_space<hbm>> -> memref<80xi32, #tpu.memory_space<hbm>>
        %dma_wait3A_206 = tpu.memref_slice %arg3[%add3A_204] : memref<320000xi32, #tpu.memory_space<hbm>> -> memref<80xi32, #tpu.memory_space<hbm>>
        tpu.wait_dma2 semaphore(%arg20 : memref<!tpu.dma_semaphore, #tpu.memory_space<semaphore_mem>>) src(%dma_wait3A_206 : memref<80xi32, #tpu.memory_space<hbm>>) dst(%arg7 : memref<80xi32, #tpu.memory_space<vmem>>)
        %dma_wait3A_207 = tpu.memref_slice %arg4[%add3A_204] : memref<320000xi32, #tpu.memory_space<hbm>> -> memref<80xi32, #tpu.memory_space<hbm>>
        %dma_wait3A_208 = tpu.memref_slice %arg4[%add3A_204] : memref<320000xi32, #tpu.memory_space<hbm>> -> memref<80xi32, #tpu.memory_space<hbm>>
        tpu.wait_dma2 semaphore(%arg20 : memref<!tpu.dma_semaphore, #tpu.memory_space<semaphore_mem>>) src(%dma_wait3A_208 : memref<80xi32, #tpu.memory_space<hbm>>) dst(%arg11 : memref<80xi32, #tpu.memory_space<vmem>>)
        %dma_start3A_209 = arith.constant 0 : i32
        %dma_start3A_210 = arith.constant 0 : i32
        %dma_start3A_211 = tpu.memref_slice %arg2[%dma_start3A_209, %dma_start3A_210] : memref<80000x128xf32, #tpu.memory_space<hbm>> -> memref<80000x128xf32, #tpu.memory_space<hbm>>
        tpu.enqueue_indirect_dma source(%dma_start3A_211 : memref<80000x128xf32, #tpu.memory_space<hbm>>) target(%arg15 : memref<80x128xf32, #tpu.memory_space<vmem>>) offsets(%arg7 : memref<80xi32, #tpu.memory_space<vmem>>) semaphore(%arg24 : memref<!tpu.dma_semaphore, #tpu.memory_space<semaphore_mem>>)
      } else {
      }
    }
    %scan3A_64 = arith.constant 31 : i32
    %dma_wait3A = arith.constant 0 : i32
    %dma_wait3A_65 = arith.constant 0 : i32
    %dma_wait3A_66 = tpu.memref_slice %arg2[%dma_wait3A, %dma_wait3A_65] : memref<80000x128xf32, #tpu.memory_space<hbm>> -> memref<80000x128xf32, #tpu.memory_space<hbm>>
    tpu.wait_indirect_dma semaphore(%arg23 : memref<!tpu.dma_semaphore, #tpu.memory_space<semaphore_mem>>) src(%dma_wait3A_66 : memref<80000x128xf32, #tpu.memory_space<hbm>>) dst(%arg14 : memref<80x128xf32, #tpu.memory_space<vmem>>)
    %dma_start3A_67 = arith.constant 0 : i32
    %dma_start3A_68 = arith.constant 0 : i32
    %dma_start3A_69 = tpu.memref_slice %arg18[%dma_start3A_67, %dma_start3A_68] : memref<10000x128xf32, #tpu.memory_space<vmem_shared>> -> memref<10000x128xf32, #tpu.memory_space<vmem_shared>>
    tpu.enqueue_indirect_dma source(%arg14 : memref<80x128xf32, #tpu.memory_space<vmem>>) target(%dma_start3A_69 : memref<10000x128xf32, #tpu.memory_space<vmem_shared>>) offsets(%arg10 : memref<80xi32, #tpu.memory_space<vmem>>) semaphore(%arg27 : memref<!tpu.dma_semaphore, #tpu.memory_space<semaphore_mem>>) {add = true}
    %dma_wait3A_70 = arith.constant 0 : i32
    %dma_wait3A_71 = arith.constant 0 : i32
    %dma_wait3A_72 = tpu.memref_slice %arg18[%dma_wait3A_70, %dma_wait3A_71] : memref<10000x128xf32, #tpu.memory_space<vmem_shared>> -> memref<10000x128xf32, #tpu.memory_space<vmem_shared>>
    tpu.wait_indirect_dma semaphore(%arg27 : memref<!tpu.dma_semaphore, #tpu.memory_space<semaphore_mem>>) src(%arg14 : memref<80x128xf32, #tpu.memory_space<vmem>>) dst(%dma_wait3A_72 : memref<10000x128xf32, #tpu.memory_space<vmem_shared>>)
    %dma_wait3A_73 = arith.constant 0 : i32
    %dma_wait3A_74 = arith.constant 0 : i32
    %dma_wait3A_75 = tpu.memref_slice %arg18[%dma_wait3A_73, %dma_wait3A_74] : memref<10000x128xf32, #tpu.memory_space<vmem_shared>> -> memref<10000x128xf32, #tpu.memory_space<vmem_shared>>
    tpu.wait_indirect_dma semaphore(%arg28 : memref<!tpu.dma_semaphore, #tpu.memory_space<semaphore_mem>>) src(%arg15 : memref<80x128xf32, #tpu.memory_space<vmem>>) dst(%dma_wait3A_75 : memref<10000x128xf32, #tpu.memory_space<vmem_shared>>)
    %dma_wait3A_76 = arith.constant 0 : i32
    %dma_wait3A_77 = arith.constant 0 : i32
    %dma_wait3A_78 = tpu.memref_slice %arg18[%dma_wait3A_76, %dma_wait3A_77] : memref<10000x128xf32, #tpu.memory_space<vmem_shared>> -> memref<10000x128xf32, #tpu.memory_space<vmem_shared>>
    tpu.wait_indirect_dma semaphore(%arg29 : memref<!tpu.dma_semaphore, #tpu.memory_space<semaphore_mem>>) src(%arg16 : memref<80x128xf32, #tpu.memory_space<vmem>>) dst(%dma_wait3A_78 : memref<10000x128xf32, #tpu.memory_space<vmem_shared>>)
    %dma_wait3A_79 = arith.constant 0 : i32
    %dma_wait3A_80 = arith.constant 0 : i32
    %dma_wait3A_81 = tpu.memref_slice %arg18[%dma_wait3A_79, %dma_wait3A_80] : memref<10000x128xf32, #tpu.memory_space<vmem_shared>> -> memref<10000x128xf32, #tpu.memory_space<vmem_shared>>
    tpu.wait_indirect_dma semaphore(%arg30 : memref<!tpu.dma_semaphore, #tpu.memory_space<semaphore_mem>>) src(%arg17 : memref<80x128xf32, #tpu.memory_space<vmem>>) dst(%dma_wait3A_81 : memref<10000x128xf32, #tpu.memory_space<vmem_shared>>)
    %barrier3A_82 = arith.constant 0 : index
    tpu.barrier barrier_id(%barrier3A_82)
    %mul3A_83 = arith.constant 624 : i32
    %mul3A_84 = arith.muli %arg1, %mul3A_83 : i32
    %mul3A_85 = arith.constant 624 : i32
    %mul3A_86 = arith.muli %arg1, %mul3A_85 : i32
    "tpu.region"() ({
      %run_scoped3A = tpu.sem_alloc : memref<!tpu.dma_semaphore, #tpu.memory_space<semaphore_mem>>
      %dma_start3A_92 = arith.constant 0 : i32
      %dma_start3A_93 = tpu.memref_slice %arg5[%arg0, %mul3A_86, %dma_start3A_92] : memref<2x10000x128xf32, #tpu.memory_space<hbm>> -> memref<1x624x128xf32, #tpu.memory_space<hbm>>
      %dma_start3A_94 = tpu.memref_squeeze %dma_start3A_93 : memref<1x624x128xf32, #tpu.memory_space<hbm>> -> memref<624x128xf32, #tpu.memory_space<hbm>>
      %dma_start3A_95 = arith.constant 0 : i32
      %dma_start3A_96 = tpu.memref_slice %arg18[%mul3A_84, %dma_start3A_95] : memref<10000x128xf32, #tpu.memory_space<vmem_shared>> -> memref<624x128xf32, #tpu.memory_space<vmem_shared>>
      tpu.enqueue_dma source(%dma_start3A_96 : memref<624x128xf32, #tpu.memory_space<vmem_shared>>) target(%dma_start3A_94 : memref<624x128xf32, #tpu.memory_space<hbm>>) target_semaphore(%run_scoped3A : memref<!tpu.dma_semaphore, #tpu.memory_space<semaphore_mem>>)
      %dma_wait3A_97 = arith.constant 0 : i32
      %dma_wait3A_98 = tpu.memref_slice %arg5[%arg0, %mul3A_86, %dma_wait3A_97] : memref<2x10000x128xf32, #tpu.memory_space<hbm>> -> memref<1x624x128xf32, #tpu.memory_space<hbm>>
      %dma_wait3A_99 = tpu.memref_squeeze %dma_wait3A_98 : memref<1x624x128xf32, #tpu.memory_space<hbm>> -> memref<624x128xf32, #tpu.memory_space<hbm>>
      %dma_wait3A_100 = arith.constant 0 : i32
      %dma_wait3A_101 = tpu.memref_slice %arg18[%mul3A_84, %dma_wait3A_100] : memref<10000x128xf32, #tpu.memory_space<vmem_shared>> -> memref<624x128xf32, #tpu.memory_space<vmem_shared>>
      tpu.wait_dma2 semaphore(%run_scoped3A : memref<!tpu.dma_semaphore, #tpu.memory_space<semaphore_mem>>) src(%dma_wait3A_101 : memref<624x128xf32, #tpu.memory_space<vmem_shared>>) dst(%dma_wait3A_99 : memref<624x128xf32, #tpu.memory_space<hbm>>)
      tpu.yield
    }) : () -> ()
    %eq3A_87 = arith.constant 0 : i32
    %eq3A_88 = arith.cmpi eq, %arg1, %eq3A_87 : i32
    %convert_element_type3A_89 = arith.extui %eq3A_88 : i1 to i32
    %cond3A_90 = arith.constant 0 : i32
    %cond3A_91 = arith.cmpi ne, %convert_element_type3A_89, %cond3A_90 : i32
    scf.if %cond3A_91 {
      "tpu.region"() ({
        %run_scoped3A = tpu.sem_alloc : memref<!tpu.dma_semaphore, #tpu.memory_space<semaphore_mem>>
        %dma_start3A_92 = arith.constant 9984 : i32
        %dma_start3A_93 = arith.constant 0 : i32
        %dma_start3A_94 = tpu.memref_slice %arg5[%arg0, %dma_start3A_92, %dma_start3A_93] : memref<2x10000x128xf32, #tpu.memory_space<hbm>> -> memref<1x16x128xf32, #tpu.memory_space<hbm>>
        %dma_start3A_95 = tpu.memref_squeeze %dma_start3A_94 : memref<1x16x128xf32, #tpu.memory_space<hbm>> -> memref<16x128xf32, #tpu.memory_space<hbm>>
        %dma_start3A_96 = arith.constant 9984 : i32
        %dma_start3A_97 = arith.constant 0 : i32
        %dma_start3A_98 = tpu.memref_slice %arg18[%dma_start3A_96, %dma_start3A_97] : memref<10000x128xf32, #tpu.memory_space<vmem_shared>> -> memref<16x128xf32, #tpu.memory_space<vmem_shared>>
        tpu.enqueue_dma source(%dma_start3A_98 : memref<16x128xf32, #tpu.memory_space<vmem_shared>>) target(%dma_start3A_95 : memref<16x128xf32, #tpu.memory_space<hbm>>) target_semaphore(%run_scoped3A : memref<!tpu.dma_semaphore, #tpu.memory_space<semaphore_mem>>)
        %dma_wait3A_99 = arith.constant 9984 : i32
        %dma_wait3A_100 = arith.constant 0 : i32
        %dma_wait3A_101 = tpu.memref_slice %arg5[%arg0, %dma_wait3A_99, %dma_wait3A_100] : memref<2x10000x128xf32, #tpu.memory_space<hbm>> -> memref<1x16x128xf32, #tpu.memory_space<hbm>>
        %dma_wait3A_102 = tpu.memref_squeeze %dma_wait3A_101 : memref<1x16x128xf32, #tpu.memory_space<hbm>> -> memref<16x128xf32, #tpu.memory_space<hbm>>
        %dma_wait3A_103 = arith.constant 9984 : i32
        %dma_wait3A_104 = arith.constant 0 : i32
        %dma_wait3A_105 = tpu.memref_slice %arg18[%dma_wait3A_103, %dma_wait3A_104] : memref<10000x128xf32, #tpu.memory_space<vmem_shared>> -> memref<16x128xf32, #tpu.memory_space<vmem_shared>>
        tpu.wait_dma2 semaphore(%run_scoped3A : memref<!tpu.dma_semaphore, #tpu.memory_space<semaphore_mem>>) src(%dma_wait3A_105 : memref<16x128xf32, #tpu.memory_space<vmem_shared>>) dst(%dma_wait3A_102 : memref<16x128xf32, #tpu.memory_space<hbm>>)
        tpu.yield
      }) : () -> ()
    } else {
    }
    return
  }
}

module attributes {stable_mosaic.version = 14 : i64} {
  func.func @_gru_body(%arg0: i32, %arg1: memref<2x2000x128xf32, #tpu.memory_space<vmem>>, %arg2: memref<2000x128xf32, #tpu.memory_space<vmem>>, %arg3: memref<384x128xf32, #tpu.memory_space<vmem>>, %arg4: memref<384x128xf32, #tpu.memory_space<vmem>>, %arg5: memref<384xf32, #tpu.memory_space<vmem>>, %arg6: memref<384xf32, #tpu.memory_space<vmem>>, %arg7: memref<2000x128xf32, #tpu.memory_space<vmem>>) attributes {dimension_semantics = [#tpu.dimension_semantics<arbitrary>], iteration_bounds = array<i64: 5>, scalar_prefetch = 0 : i64, scratch_operands = 0 : i64, tpu.core_type = #tpu.core_type<tc>, window_params = [{transform_indices = @transform_0, window_bounds = array<i64: 2, 2000, 128>}, {transform_indices = @transform_1, window_bounds = array<i64: 2000, 128>}, {pipeline_mode = #tpu.pipeline_mode<synchronous>, transform_indices = @transform_2, window_bounds = array<i64: 384, 128>}, {pipeline_mode = #tpu.pipeline_mode<synchronous>, transform_indices = @transform_3, window_bounds = array<i64: 384, 128>}, {pipeline_mode = #tpu.pipeline_mode<synchronous>, transform_indices = @transform_4, window_bounds = array<i64: 384>}, {pipeline_mode = #tpu.pipeline_mode<synchronous>, transform_indices = @transform_5, window_bounds = array<i64: 384>}, {transform_indices = @transform_6, window_bounds = array<i64: 2000, 128>}]} {
    %get3A = arith.constant 0 : index
    %get3A_0 = arith.constant 0 : index
    %get3A_1 = arith.constant 0 : index
    %get3A_2 = vector.load %arg1[%get3A, %get3A_0, %get3A_1] : memref<2x2000x128xf32, #tpu.memory_space<vmem>>, vector<1x2000x128xf32>
    %get3A_3 = vector.shape_cast %get3A_2 : vector<1x2000x128xf32> to vector<2000x128xf32>
    %get3A_4 = arith.constant 1 : index
    %get3A_5 = arith.constant 0 : index
    %get3A_6 = arith.constant 0 : index
    %get3A_7 = vector.load %arg1[%get3A_4, %get3A_5, %get3A_6] : memref<2x2000x128xf32, #tpu.memory_space<vmem>>, vector<1x2000x128xf32>
    %get3A_8 = vector.shape_cast %get3A_7 : vector<1x2000x128xf32> to vector<2000x128xf32>
    %add3A = arith.addf %get3A_3, %get3A_8 : vector<2000x128xf32>
    %get3A_9 = arith.constant 0 : index
    %get3A_10 = arith.constant 0 : index
    %get3A_11 = vector.load %arg2[%get3A_9, %get3A_10] : memref<2000x128xf32, #tpu.memory_space<vmem>>, vector<2000x128xf32>
    %get3A_12 = arith.constant 0 : index
    %get3A_13 = arith.constant 0 : index
    %get3A_14 = vector.load %arg3[%get3A_12, %get3A_13] : memref<384x128xf32, #tpu.memory_space<vmem>>, vector<384x128xf32>
    %dot_general3A = arith.constant dense<0.000000e+00> : vector<2000x384xf32>
    %dot_general3A_15 = tpu.matmul %add3A, %get3A_14, %dot_general3A {dimension_numbers = #tpu.dot_dimension_numbers<[1], [1], [0], [0], [0, 0, 1, 0], [], []>, transpose_lhs_hint = false} : vector<2000x128xf32>, vector<384x128xf32>, vector<2000x384xf32> -> vector<2000x384xf32>
    %get3A_16 = arith.constant 0 : index
    %get3A_17 = vector.load %arg5[%get3A_16] : memref<384xf32, #tpu.memory_space<vmem>>, vector<384xf32>
    %broadcast_in_dim3A = vector.shape_cast %get3A_17 : vector<384xf32> to vector<1x384xf32>
    %add3A_18 = vector.broadcast %broadcast_in_dim3A : vector<1x384xf32> to vector<2000x384xf32>
    %add3A_19 = arith.addf %dot_general3A_15, %add3A_18 : vector<2000x384xf32>
    %get3A_20 = arith.constant 0 : index
    %get3A_21 = arith.constant 0 : index
    %get3A_22 = vector.load %arg4[%get3A_20, %get3A_21] : memref<384x128xf32, #tpu.memory_space<vmem>>, vector<384x128xf32>
    %dot_general3A_23 = arith.constant dense<0.000000e+00> : vector<2000x384xf32>
    %dot_general3A_24 = tpu.matmul %get3A_11, %get3A_22, %dot_general3A_23 {dimension_numbers = #tpu.dot_dimension_numbers<[1], [1], [0], [0], [0, 0, 1, 0], [], []>, transpose_lhs_hint = false} : vector<2000x128xf32>, vector<384x128xf32>, vector<2000x384xf32> -> vector<2000x384xf32>
    %get3A_25 = arith.constant 0 : index
    %get3A_26 = vector.load %arg6[%get3A_25] : memref<384xf32, #tpu.memory_space<vmem>>, vector<384xf32>
    %broadcast_in_dim3A_27 = vector.shape_cast %get3A_26 : vector<384xf32> to vector<1x384xf32>
    %add3A_28 = vector.broadcast %broadcast_in_dim3A_27 : vector<1x384xf32> to vector<2000x384xf32>
    %add3A_29 = arith.addf %dot_general3A_24, %add3A_28 : vector<2000x384xf32>
    %slice3A = vector.extract_strided_slice %add3A_19 {offsets = [0, 0], sizes = [2000, 128], strides = [1, 1]} : vector<2000x384xf32> to vector<2000x128xf32>
    %slice3A_30 = vector.extract_strided_slice %add3A_19 {offsets = [0, 128], sizes = [2000, 128], strides = [1, 1]} : vector<2000x384xf32> to vector<2000x128xf32>
    %slice3A_31 = vector.extract_strided_slice %add3A_19 {offsets = [0, 256], sizes = [2000, 128], strides = [1, 1]} : vector<2000x384xf32> to vector<2000x128xf32>
    %slice3A_32 = vector.extract_strided_slice %add3A_29 {offsets = [0, 0], sizes = [2000, 128], strides = [1, 1]} : vector<2000x384xf32> to vector<2000x128xf32>
    %slice3A_33 = vector.extract_strided_slice %add3A_29 {offsets = [0, 128], sizes = [2000, 128], strides = [1, 1]} : vector<2000x384xf32> to vector<2000x128xf32>
    %slice3A_34 = vector.extract_strided_slice %add3A_29 {offsets = [0, 256], sizes = [2000, 128], strides = [1, 1]} : vector<2000x384xf32> to vector<2000x128xf32>
    %add3A_35 = arith.addf %slice3A, %slice3A_32 : vector<2000x128xf32>
    %logistic3A = arith.negf %add3A_35 : vector<2000x128xf32>
    %logistic3A_36 = math.exp %logistic3A : vector<2000x128xf32>
    %logistic3A_37 = arith.constant 1.000000e+00 : f32
    %logistic3A_38 = vector.broadcast %logistic3A_37 : f32 to vector<2000x128xf32>
    %logistic3A_39 = arith.addf %logistic3A_38, %logistic3A_36 : vector<2000x128xf32>
    %logistic3A_40 = arith.divf %logistic3A_38, %logistic3A_39 : vector<2000x128xf32>
    %add3A_41 = arith.addf %slice3A_30, %slice3A_33 : vector<2000x128xf32>
    %logistic3A_42 = arith.negf %add3A_41 : vector<2000x128xf32>
    %logistic3A_43 = math.exp %logistic3A_42 : vector<2000x128xf32>
    %logistic3A_44 = arith.constant 1.000000e+00 : f32
    %logistic3A_45 = vector.broadcast %logistic3A_44 : f32 to vector<2000x128xf32>
    %logistic3A_46 = arith.addf %logistic3A_45, %logistic3A_43 : vector<2000x128xf32>
    %logistic3A_47 = arith.divf %logistic3A_45, %logistic3A_46 : vector<2000x128xf32>
    %mul3A = arith.mulf %logistic3A_40, %slice3A_34 : vector<2000x128xf32>
    %add3A_48 = arith.addf %slice3A_31, %mul3A : vector<2000x128xf32>
    %tanh3A = math.tanh %add3A_48 : vector<2000x128xf32>
    %sub3A = arith.constant 1.000000e+00 : f32
    %sub3A_49 = vector.broadcast %sub3A : f32 to vector<2000x128xf32>
    %sub3A_50 = arith.subf %sub3A_49, %logistic3A_47 : vector<2000x128xf32>
    %mul3A_51 = arith.mulf %sub3A_50, %tanh3A : vector<2000x128xf32>
    %mul3A_52 = arith.mulf %logistic3A_47, %get3A_11 : vector<2000x128xf32>
    %add3A_53 = arith.addf %mul3A_51, %mul3A_52 : vector<2000x128xf32>
    %swap3A = arith.constant 0 : index
    %swap3A_54 = arith.constant 0 : index
    %swap3A_55 = vector.load %arg7[%swap3A, %swap3A_54] : memref<2000x128xf32, #tpu.memory_space<vmem>>, vector<2000x128xf32>
    tpu.vector_store %arg7[%swap3A, %swap3A_54], %add3A_53 {strides = array<i32>} : memref<2000x128xf32, #tpu.memory_space<vmem>>, vector<2000x128xf32>,
    return
  }
  func.func @transform_0(%arg0: i32) -> (i32, i32, i32) {
    %c0_i32 = arith.constant 0 : i32
    %c0_i32_0 = arith.constant 0 : i32
    %c0_i32_1 = arith.constant 0 : i32
    return %c0_i32, %arg0, %c0_i32_0 : i32, i32, i32
  }
  func.func @transform_1(%arg0: i32) -> (i32, i32) {
    %c0_i32 = arith.constant 0 : i32
    %c0_i32_0 = arith.constant 0 : i32
    return %arg0, %c0_i32 : i32, i32
  }
  func.func @transform_2(%arg0: i32) -> (i32, i32) {
    %c0_i32 = arith.constant 0 : i32
    %c0_i32_0 = arith.constant 0 : i32
    %c0_i32_1 = arith.constant 0 : i32
    return %c0_i32, %c0_i32_0 : i32, i32
  }
  func.func @transform_3(%arg0: i32) -> (i32, i32) {
    %c0_i32 = arith.constant 0 : i32
    %c0_i32_0 = arith.constant 0 : i32
    %c0_i32_1 = arith.constant 0 : i32
    return %c0_i32, %c0_i32_0 : i32, i32
  }
  func.func @transform_4(%arg0: i32) -> i32 {
    %c0_i32 = arith.constant 0 : i32
    %c0_i32_0 = arith.constant 0 : i32
    return %c0_i32 : i32
  }
  func.func @transform_5(%arg0: i32) -> i32 {
    %c0_i32 = arith.constant 0 : i32
    %c0_i32_0 = arith.constant 0 : i32
    return %c0_i32 : i32
  }
  func.func @transform_6(%arg0: i32) -> (i32, i32) {
    %c0_i32 = arith.constant 0 : i32
    %c0_i32_0 = arith.constant 0 : i32
    return %arg0, %c0_i32 : i32, i32
  }
}

module attributes {stable_mosaic.version = 14 : i64} {
  func.func @_prep_body(%arg0: i32, %arg1: i32, %arg2: memref<2000x128xf32, #tpu.memory_space<vmem>>, %arg3: memref<1x128x128xf32, #tpu.memory_space<vmem>>, %arg4: memref<1x1x128xf32, #tpu.memory_space<vmem>>, %arg5: memref<2500x128xi32, #tpu.memory_space<vmem>>, %arg6: memref<2500x128xi32, #tpu.memory_space<vmem>>, %arg7: memref<2000x128xf32, #tpu.memory_space<vmem>>, %arg8: memref<2500x128xi32, #tpu.memory_space<vmem>>) attributes {dimension_semantics = [#tpu.dimension_semantics<arbitrary>, #tpu.dimension_semantics<arbitrary>], iteration_bounds = array<i64: 5, 8>, scalar_prefetch = 0 : i64, scratch_operands = 0 : i64, tpu.core_type = #tpu.core_type<tc>, window_params = [{transform_indices = @transform_0, window_bounds = array<i64: 2000, 128>}, {transform_indices = @transform_1, window_bounds = array<i64: 1, 128, 128>}, {transform_indices = @transform_2, window_bounds = array<i64: 1, 1, 128>}, {pipeline_mode = #tpu.pipeline_mode<synchronous>, transform_indices = @transform_3, window_bounds = array<i64: 2500, 128>}, {pipeline_mode = #tpu.pipeline_mode<synchronous>, transform_indices = @transform_4, window_bounds = array<i64: 2500, 128>}, {transform_indices = @transform_5, window_bounds = array<i64: 2000, 128>}, {pipeline_mode = #tpu.pipeline_mode<synchronous>, transform_indices = @transform_6, window_bounds = array<i64: 2500, 128>}]} {
    %get3A = arith.constant 0 : index
    %get3A_0 = arith.constant 0 : index
    %get3A_1 = vector.load %arg2[%get3A, %get3A_0] : memref<2000x128xf32, #tpu.memory_space<vmem>>, vector<2000x128xf32>
    %get3A_2 = arith.constant 0 : index
    %get3A_3 = arith.constant 0 : index
    %get3A_4 = arith.constant 0 : index
    %get3A_5 = vector.load %arg3[%get3A_2, %get3A_3, %get3A_4] : memref<1x128x128xf32, #tpu.memory_space<vmem>>, vector<1x128x128xf32>
    %get3A_6 = vector.shape_cast %get3A_5 : vector<1x128x128xf32> to vector<128x128xf32>
    %dot_general3A = arith.constant dense<0.000000e+00> : vector<2000x128xf32>
    %dot_general3A_7 = tpu.matmul %get3A_1, %get3A_6, %dot_general3A {dimension_numbers = #tpu.dot_dimension_numbers<[1], [1], [0], [0], [0, 0, 1, 0], [], []>, transpose_lhs_hint = false} : vector<2000x128xf32>, vector<128x128xf32>, vector<2000x128xf32> -> vector<2000x128xf32>
    %get3A_8 = arith.constant 0 : index
    %get3A_9 = arith.constant 0 : index
    %get3A_10 = arith.constant 0 : index
    %get3A_11 = vector.load %arg4[%get3A_8, %get3A_9, %get3A_10] : memref<1x1x128xf32, #tpu.memory_space<vmem>>, vector<1x1x128xf32>
    %get3A_12 = vector.shape_cast %get3A_11 : vector<1x1x128xf32> to vector<1x128xf32>
    %add3A = vector.broadcast %get3A_12 : vector<1x128xf32> to vector<2000x128xf32>
    %add3A_13 = arith.addf %dot_general3A_7, %add3A : vector<2000x128xf32>
    %swap3A = arith.constant 0 : index
    %swap3A_14 = arith.constant 0 : index
    %swap3A_15 = vector.load %arg7[%swap3A, %swap3A_14] : memref<2000x128xf32, #tpu.memory_space<vmem>>, vector<2000x128xf32>
    tpu.vector_store %arg7[%swap3A, %swap3A_14], %add3A_13 {strides = array<i32>} : memref<2000x128xf32, #tpu.memory_space<vmem>>, vector<2000x128xf32>,
    %eq3A = arith.constant 0 : i32
    %eq3A_16 = arith.cmpi eq, %arg1, %eq3A : i32
    %eq3A_17 = arith.constant 0 : i32
    %eq3A_18 = arith.cmpi eq, %arg0, %eq3A_17 : i32
    %and3A = arith.andi %eq3A_16, %eq3A_18 : i1
    %convert_element_type3A = arith.extui %and3A : i1 to i32
    %cond3A = arith.constant 0 : i32
    %cond3A_19 = arith.cmpi ne, %convert_element_type3A, %cond3A : i32
    scf.if %cond3A_19 {
      %get3A_20 = arith.constant 0 : index
      %get3A_21 = arith.constant 0 : index
      %get3A_22 = vector.load %arg6[%get3A_20, %get3A_21] : memref<2500x128xi32, #tpu.memory_space<vmem>>, vector<2500x128xi32>
      %mul3A = arith.constant 10000 : i32
      %mul3A_23 = vector.broadcast %mul3A : i32 to vector<2500x128xi32>
      %mul3A_24 = arith.muli %get3A_22, %mul3A_23 : vector<2500x128xi32>
      %get3A_25 = arith.constant 0 : index
      %get3A_26 = arith.constant 0 : index
      %get3A_27 = vector.load %arg5[%get3A_25, %get3A_26] : memref<2500x128xi32, #tpu.memory_space<vmem>>, vector<2500x128xi32>
      %add3A_28 = arith.addi %mul3A_24, %get3A_27 : vector<2500x128xi32>
      %swap3A_29 = arith.constant 0 : index
      %swap3A_30 = arith.constant 0 : index
      %swap3A_31 = vector.load %arg8[%swap3A_29, %swap3A_30] : memref<2500x128xi32, #tpu.memory_space<vmem>>, vector<2500x128xi32>
      tpu.vector_store %arg8[%swap3A_29, %swap3A_30], %add3A_28 {strides = array<i32>} : memref<2500x128xi32, #tpu.memory_space<vmem>>, vector<2500x128xi32>,
    } else {
    }
    return
  }
  func.func @transform_0(%arg0: i32, %arg1: i32) -> (i32, i32) {
    %c0_i32 = arith.constant 0 : i32
    %c0_i32_0 = arith.constant 0 : i32
    return %arg0, %c0_i32 : i32, i32
  }
  func.func @transform_1(%arg0: i32, %arg1: i32) -> (i32, i32, i32) {
    %c0_i32 = arith.constant 0 : i32
    %c0_i32_0 = arith.constant 0 : i32
    %c0_i32_1 = arith.constant 0 : i32
    return %arg1, %c0_i32, %c0_i32_0 : i32, i32, i32
  }
  func.func @transform_2(%arg0: i32, %arg1: i32) -> (i32, i32, i32) {
    %c0_i32 = arith.constant 0 : i32
    %c0_i32_0 = arith.constant 0 : i32
    %c0_i32_1 = arith.constant 0 : i32
    return %arg1, %c0_i32, %c0_i32_0 : i32, i32, i32
  }
  func.func @transform_3(%arg0: i32, %arg1: i32) -> (i32, i32) {
    %c0_i32 = arith.constant 0 : i32
    %c0_i32_0 = arith.constant 0 : i32
    %c0_i32_1 = arith.constant 0 : i32
    return %c0_i32, %c0_i32_0 : i32, i32
  }
  func.func @transform_4(%arg0: i32, %arg1: i32) -> (i32, i32) {
    %c0_i32 = arith.constant 0 : i32
    %c0_i32_0 = arith.constant 0 : i32
    %c0_i32_1 = arith.constant 0 : i32
    return %c0_i32, %c0_i32_0 : i32, i32
  }
  func.func @transform_5(%arg0: i32, %arg1: i32) -> (i32, i32) {
    %mul3A = arith.constant 5 : i32
    %mul3A_0 = arith.muli %arg1, %mul3A : i32
    %add3A = arith.addi %mul3A_0, %arg0 : i32
    %c0_i32 = arith.constant 0 : i32
    %c0_i32_1 = arith.constant 0 : i32
    return %add3A, %c0_i32 : i32, i32
  }
  func.func @transform_6(%arg0: i32, %arg1: i32) -> (i32, i32) {
    %c0_i32 = arith.constant 0 : i32
    %c0_i32_0 = arith.constant 0 : i32
    %c0_i32_1 = arith.constant 0 : i32
    return %c0_i32, %c0_i32_0 : i32, i32
  }
}

</mosaic_0001>

<sc_bundles>
// kernel: kernel.5.cloned.1.call-start
scs
__scs_entry_jumppad:
0x0: {  	(pc) =	sbr.rel $0x88, $3  }
0x1: {  	(tag) =	ssettag $0x0;
	lr =	simm.s32 $0x1  }
0x2: {  	[smem:$0x3F98] =	sst lr;
	_ =	strace $0xD0000000  }
0x3: {  	_ = 	snop  }
0x4: {  	_ = 	snop  }
0x5: {  	_ = 	snop  }
0x6: {  	_ = 	snop  }
0x7: {  	_ = 	snop  }
__scs_overlays_trampoline_lowered:
0x8: {  	[smem:$0x3FA7] =	sst s0  }
0x9: {  	[smem:$0x3FA8] =	sst s1  }
0xa: {  	[smem:$0x3FA9] =	sst s2  }
0xb: {  	[smem:$0x3FAA] =	sst s3  }
0xc: {  	[smem:$0x3FAB] =	sst s4  }
0xd: {  	[smem:$0x3FAC] =	sst s5  }
0xe: {  	[smem:$0x3FAD] =	sst s6  }
0xf: {  	[smem:$0x3FAE] =	sst s7  }
0x10: {  	[smem:$0x3FAF] =	sst s8  }
0x11: {  	[smem:$0x3FB0] =	sst s9;
	s0 =	simm.s32 @!p0 $0x0  }
0x12: {  	s1 =	sld [smem:$0x3F96];
	s0 =	simm.s32 @p0 $0x1  }
0x13: {  	[smem:$0x3FB1] =	sst s0;
	s0 =	simm.s32 @!p1 $0x0  }
0x14: {  	s2 =	sld [smem:$0x3F95];
	s0 =	simm.s32 @p1 $0x1  }
0x15: {  	[smem:$0x3FB2] =	sst s0;
	s0 =	simm.s32 @!p2 $0x0  }
0x16: {  	s3 =	sld [smem:$0x3FDB];
	s0 =	simm.s32 @p2 $0x1  }
0x17: {  	s4 =	simm.s32 $0x1BF5;
	[smem:$0x3FB4] =	sst s0  }
0x18: {  	s0 =	sld [smem:$0x3F97];
	_ =	swait.ge [sflag:s4], $0x0  }
0x19: {  	s7 =	sld [smem:$0x3F98]  }
0x1a: {  	s8 =	sadd.s32 $0xFFFFE003, lr  }
0x1b: {  	s9 =	sadd.s32 $0xFFFFFEF7, lr;
	s5 =	simm.s32 $0xFFFFFFFF;
	p2 =	slt.u32 s8, $0xFFFFF086  }
0x1c: {  	p1 =	slt.u32 s9, $0xF7A;
	s5 =	simm.s32 @!p2 $0x0  }
0x1d: {  	s5 =	simm.s32 @p1 $0x1;
	p0 =	seq.s32 s7, s2  }
0x1e: {  	s7 =	smul.u32 @!p0 $0xF7A, s2;
	p2 =	seq.s32 @!p0 s5, $0x0  }
0x1f: {  	s9 =	smul.u32 $0xF7A, s1;
	s8 =	simm.s32 @!p0 $0x1BF5;
	p2 =	por !p2, p0  }
0x20: {  	[sflag:s8] =	ssyncset.s32 @!p0 $0xFFFFF086;
	s6 =	sadd.s32 @!p0 s3, s7;
	s7 =	simm.s32 @!p0 $0x108  }
0x21: {  	s3 =	sadd.s32 s3, s9;
	s6 =	sadd.s32 @!p0 $0x88, s6;
	s7 =	simm.s32 @p2 $0x1082  }
0x22: {  	[simem:s7], [sflag:s8] =	dma.local @!p0 [hbm:s6], $0xF7A  }
0x23: {  	s9 =	sor.u32 $0xD0000000, s2;
	s6 =	simm.s32 $0x108;
	_ =	swait.ge @!p0 [sflag:s8], $0x0  }
0x24: {  	s3 =	sadd.s32 $0x88, s3;
	s6 =	simm.s32 @!p1 $0x1082;
	[sflag:s4] =	ssyncset.s32 $0xFFFFF086  }
0x25: {  	[simem:s6], [sflag:s4] =	dma.local [hbm:s3], $0xF7A  }
0x26: {  	[smem:$0x3F98] =	sst s1;
	(tag) =	ssettag s2;
	_ =	strace s9  }
0x27: {  	s1 =	sld [smem:$0x3FA8]  }
0x28: {  	s2 =	sld [smem:$0x3FA9]  }
0x29: {  	s4 =	sld [smem:$0x3FAB]  }
0x2a: {  	p0 =	seq.s32 s5, $0x0;
	s5 =	sld [smem:$0x3FAC]  }
0x2b: {  	s6 =	sld [smem:$0x3FAD]  }
0x2c: {  	s7 =	sld [smem:$0x3FAE]  }
0x2d: {  	s3 =	simm.s32 $0x108;
	s8 =	sld [smem:$0x3FAF]  }
0x2e: {  	s3 =	simm.s32 @!p0 $0x1082;
	s9 =	sld [smem:$0x3FB0]  }
0x2f: {  	lr =	sadd.s32 s0, s3;
	s0 =	sld [smem:$0x3FA7]  }
0x30: {  	s3 =	sld [smem:$0x3FAA]  }
0x31: {  	[smem:$0x3FB3] =	sst s10  }
0x32: {  	s10 =	sld [smem:$0x3FB1];
	_ =	sdelay $0x3  }
0x33: {  	p0 =	seq.s32 s10, $0x1;
	s10 =	sld [smem:$0x3FB3];
	_ =	sdelay $0x3  }
0x34: {  	[smem:$0x3FB3] =	sst s10  }
0x35: {  	s10 =	sld [smem:$0x3FB2];
	_ =	sdelay $0x3  }
0x36: {  	p1 =	seq.s32 s10, $0x1;
	s10 =	sld [smem:$0x3FB3];
	_ =	sdelay $0x3  }
0x37: {  	[smem:$0x3FB3] =	sst s10  }
0x38: {  	s10 =	sld [smem:$0x3FB4]  }
0x39: {  	_ = 	snop;
	(pc) =	sbr.ind lr, $3  }
0x3a: {  	_ = 	snop  }
0x3b: {  	_ = 	snop  }
0x3c: {  	p2 =	seq.s32 s10, $0x1;
	s10 =	sld [smem:$0x3FB3]  }
0x3d: {  	_ =	shalt  }
0x3e: {  	_ =	shalt  }
0x3f: {  	_ =	shalt  }
0x40: {  	_ =	shalt  }
0x41: {  	_ =	shalt  }
0x42: {  	_ =	shalt  }
0x43: {  	_ =	shalt  }
0x44: {  	_ =	shalt  }
0x45: {  	_ =	shalt  }
0x46: {  	_ =	shalt  }
0x47: {  	_ =	shalt  }
0x48: {  	_ =	shalt  }
0x49: {  	_ =	shalt  }
0x4a: {  	_ =	shalt  }
0x4b: {  	_ =	shalt  }
0x4c: {  	_ =	shalt  }
0x4d: {  	_ =	shalt  }
0x4e: {  	_ =	shalt  }
0x4f: {  	_ =	shalt  }
0x50: {  	_ =	shalt  }
0x51: {  	_ =	shalt  }
0x52: {  	_ =	shalt  }
0x53: {  	_ =	shalt  }
0x54: {  	_ =	shalt  }
0x55: {  	_ =	shalt  }
0x56: {  	_ =	shalt  }
0x57: {  	_ =	shalt  }
0x58: {  	_ =	shalt  }
0x59: {  	_ =	shalt  }
0x5a: {  	_ =	shalt  }
0x5b: {  	_ =	shalt  }
0x5c: {  	_ =	shalt  }
0x5d: {  	_ =	shalt  }
0x5e: {  	_ =	shalt  }
0x5f: {  	_ =	shalt  }
0x60: {  	_ =	shalt  }
0x61: {  	_ =	shalt  }
0x62: {  	_ =	shalt  }
0x63: {  	_ =	shalt  }
0x64: {  	_ =	shalt  }
0x65: {  	_ =	shalt  }
0x66: {  	_ =	shalt  }
0x67: {  	_ =	shalt  }
0x68: {  	_ =	shalt  }
0x69: {  	_ =	shalt  }
0x6a: {  	_ =	shalt  }
0x6b: {  	_ =	shalt  }
0x6c: {  	_ =	shalt  }
0x6d: {  	_ =	shalt  }
0x6e: {  	_ =	shalt  }
0x6f: {  	_ =	shalt  }
0x70: {  	_ =	shalt  }
0x71: {  	_ =	shalt  }
0x72: {  	_ =	shalt  }
0x73: {  	_ =	shalt  }
0x74: {  	_ =	shalt  }
0x75: {  	_ =	shalt  }
0x76: {  	_ =	shalt  }
0x77: {  	_ =	shalt  }
0x78: {  	_ =	shalt  }
0x79: {  	_ =	shalt  }
0x7a: {  	_ =	shalt  }
0x7b: {  	_ =	shalt  }
0x7c: {  	_ =	shalt  }
0x7d: {  	_ =	shalt  }
0x7e: {  	_ =	shalt  }
0x7f: {  	_ =	shalt  }
0x80: {  	_ =	shalt  }
0x81: {  	_ =	shalt  }
0x82: {  	_ =	shalt  }
0x83: {  	_ =	shalt  }
0x84: {  	_ =	shalt  }
0x85: {  	_ =	shalt  }
0x86: {  	_ =	shalt  }
0x87: {  	_ =	shalt  }
.Lfunc_end0:
.L_simem_size_0:
called_computation_lowered:
.L_overlay_start_0:
0x88: {  	s2 =	sld [smem:$0x3FD9]  }
0x89: {  	s3 =	sld [smem:$0x3FFE];
	_ =	sdelay $0x1  }
0x8a: {  	s1 =	srdreg.scid  }
0x8b: {  	s0 =	sand.u32 $0x1, s1  }
0x8c: {  	s17 =	sshll.u32 s0, $0xA;
	s2 =	sadd.s32 s3, s2  }
0x8d: {  	s2 =	sadd.s32 s2, s17  }
0x8e: {  	[smem:$0x3FBF] =	sst s2  }
0x8f: {  	_ = 	snop  }
0x90: {  	s2 =	sld [smem:$0x3FD0];
	(tm) =	ssettm $0x1  }
0x91: {  	s18 =	sld [smem:$0x3FFB];
	_ =	sdelay $0x3  }
0x92: {  	_ =	strace s18  }
0x93: {  	s3 =	sld [smem:$0x3FFC];
	_ =	sdelay $0x3  }
0x94: {  	_ =	strace s3  }
0x95: {  	s3 =	sld [smem:$0x3FFD];
	_ =	sdelay $0x3  }
0x96: {  	_ =	strace s3  }
0x97: {  	_ =	strace $0x8FFFFFFF  }
0x98: {  	s19 =	sld [smem:$0x3FDB];
	_ =	sdelay $0x1  }
0x99: {  	s4 =	simm.s32 $_scs_section_size  }
0x9a: {  	s5 =	simm.s32 $_size__tile_overlayer_lowered;
	s6 =	simm.s32 $_tile_overlayer_lowered  }
0x9b: {  	s22 =	simm.s32 $0x1BFF;
	s21 =	sshll.u32 s6, $0x1;
	s3 =	sadd.s32 s4, s19  }
0x9c: {  	s7 =	simm.s32 $0x0;
	s20 =	sshll.u32 s5, $0x1;
	s5 =	sadd.s32 s21, s3  }
0x9d: {  	[timem:s7], [sflag:s22] =	dma.local [hbm:s5], s20  }
0x9e: {  	_ =	swait.ge [sflag:s22], s20  }
0x9f: {  	s4 =	ssub.s32 $0x0, s20;
	[sflag:s22] =	ssyncset.done $0x0  }
0xa0: {  	[sflag:s22] =	ssyncadd.s32 s4;
	_ =	sdelay $0x1  }
0xa1: {  	s23 =	simm.s32 $0x1B8B  }
0xa2: {  	_ =	swait.ge [sflag:s23], $0x1  }
0xa3: {  	[sflag:s23] =	ssyncset.done $0x0  }
0xa4: {  	s25 =	simm.s32 $0x1B8E;
	s24 =	sld [smem:$0x3FFE];
	[sflag:s23] =	ssyncadd.s32 $0xFFFFFFFF  }
0xa5: {  	s26 =	simm.s32 $execute0_lowered;
	[smem:$0x3FD2] =	sst s25  }
0xa6: {  	s5 =	sshll.u32 s26, $0x1;
	_ =	strace $0x80000046;
	[dreg:$0x1] =	wrdreg $0xFFFFFFFF  }
0xa7: {  	s28 =	simm.s32 $_size_execute0_lowered;
	s3 =	sadd.s32 s3, s5;
	[dreg:$0x0] =	wrdreg $0x0  }
0xa8: {  	s5 =	sshll.u32 s28, $0x1;
	[dreg:$0x2] =	wrdreg s3  }
0xa9: {  	[dreg:$0x3] =	wrdreg s5  }
0xaa: {  	[dreg:$0x4] =	wrdreg $0xC0  }
0xab: {  	_ =	task [dreg:s7], $0x5FFFF  }
0xac: {  	[dreg:$0x1] =	wrdreg $0xFFFFFFFF  }
0xad: {  	[dreg:$0x0] =	wrdreg $0x60  }
0xae: {  	[dreg:$0x2] =	wrdreg s24  }
0xaf: {  	[dreg:$0x3] =	wrdreg s2  }
0xb0: {  	[dreg:$0x4] =	wrdreg $0xA4000  }
0xb1: {  	[dreg:$0x5] =	wrdreg $0x9  }
0xb2: {  	_ =	task.clear_ibuf [dreg:s7], $0x6FFFF;
	_ =	strace $0x90000046  }
0xb3: {  	s29 =	simm.s32 $0x9;
	_ =	strace $0x80000048  }
0xb4: {  	_ =	swait.ge [sflag:s29], $0x1  }
0xb5: {  	[sflag:s29] =	ssyncadd.s32 $0xFFFFFFFF  }
0xb6: {  	_ =	strace $0x90000048  }
0xb7: {  	_ =	sfence  }
0xb8: {  	s30 =	sld [smem:$0x0];
	_ =	sdelay $0x2  }
0xb9: {  	s31 =	sshll.u32 s1, $0xD;
	s1 =	sshrl.u32 s1, $0x2  }
0xba: {  	s3 =	sand.u32 $0x4000, s31;
	s1 =	sadd.s32 s1, s30  }
0xbb: {  	s0 =	sor.u32 s3, s0;
	s1 =	sshll.u32 s1, $0x11  }
0xbc: {  	s0 =	sor.u32 s1, s0  }
0xbd: {  	s0 =	sadd.s32 $0x8F2B, s0  }
0xbe: {  	[sflag:s0] =	ssyncadd.remote.s32 $0x1  }
0xbf: {  	_ =	sfence.sel $0xFFFF  }
0xc0: {  	[dreg:$0x0] =	wrdreg $0xFFFFFFFF;
	(pc) =	sbr.abs _section_cstart, $3  }
0xc1: {  	[dreg:$0x1] =	wrdreg $0xFFFFFFFF  }
0xc2: {  	_ =	task.clear_ibuf [dreg:s7], $0x2FFFF;
	_ =	strace $0x9FFFFFFF  }
0xc3: {  	(tm) =	ssettm $0x7FFFFFFF  }
tec
execute0_lowered:
.L_overlay_start_1:
0x0: {  	(tag) =	ssettag $0x1  }
0x1: {  	s0 =	rddreg [dreg:$0x0]  }
0x2: {  	s10 =	rddreg [dreg:$0x1]  }
0x3: {  	s2 =	rddreg [dreg:$0x2]  }
0x4: {  	s1 =	srdreg.scid;
	s3 =	simm.s32 $0x0;
	s11 =	stileid.u32  }
0x5: {  	s28 =	simm.s32 $0x5400;
	s29 =	simm.s32 $0x6;
	s30 =	simm.s32 $0x9  }
0x6: {  	s31 =	simm.s32 $0x4;
	s1 =	sand.u32 $0x1, s1;
	[smem:$0x7FF] =	sst s3  }
0x7: {  	s5 =	sadd.s32 $0x1200, s0;
	s12 =	sadd.s32 $0x139A00, s0;
	s20 =	smul.u32 $0x4E000, s11  }
0x8: {  	s0 =	sadd.s32 $0x143800, s0;
	s22 =	smul.u32 $0x13800, s11;
	s4 =	sshll.u32 s1, $0x4  }
0x9: {  	s25 =	smul.u32 $0x2710, s11;
	s6 =	ssub.s32 $0x2, s1;
	s4 =	sor.u32 s11, s4  }
0xa: {  	p0 =	sne.s32 s11, $0x0;
	s7 =	sshrl.u32 s6, $0x1;
	s4 =	smul.u32 $0x2710, s4  }
0xb: {  	_ =	strace $0x80000047;
	s21 =	smul.u32 $0x138800, s1;
	s6 =	ssub.s32 s6, s7  }
0xc: {  	s1 =	smul.u32 $0x27100, s1;
	s6 =	smax.u32 s6, $0x1;
	s4 =	sshrl.u32 s4, $0x3  }
0xd: {  	s11 =	simm.s32 $0x2;
	[dreg:$0xf] =	wrdreg s6;
	s17 =	sadd.s32 s12, s4  }
0xe: {  	s18 =	sadd.s32 $0xA, s4;
	s8 =	sadd.s32 s10, s4;
	[dreg:$0x4] =	wrdreg s17  }
0xf: {  	s24 =	sadd.s32 s22, s21;
	[dreg:$0x5] =	wrdreg s8;
	s19 =	sadd.s32 s12, s18  }
0x10: {  	s4 =	sadd.s32 $0x14, s4;
	s7 =	sadd.s32 s10, s18;
	[dreg:$0x6] =	wrdreg s19  }
0x11: {  	s1 =	sadd.s32 s25, s1;
	s9 =	sadd.s32 s12, s4;
	[dreg:$0x7] =	wrdreg s7  }
0x12: {  	s8 =	sshrl.u32 s20, $0x2;
	s4 =	sadd.s32 s10, s4;
	[dreg:$0x8] =	wrdreg s9  }
0x13: {  	[dreg:$0x9] =	wrdreg s4;
	s20 =	sadd.s32 s8, s2;
	s8 =	sadd.s32 $0x140, s1  }
0x14: {  	s4 =	sshrl.u32 s24, $0x3;
	s7 =	sshrl.u32 s21, $0x3;
	[dreg:$0x10] =	wrdreg s8  }
0x15: {  	s9 =	sadd.s32 $0x1E0, s1;
	s23 =	sadd.s32 $0x2800, s20;
	[dreg:$0xa] =	wrdreg s20  }
0x16: {  	s21 =	smov.u32 s12;
	s26 =	sadd.s32 $0x5000, s20;
	[dreg:$0xb] =	wrdreg s23  }
0x17: {  	s4 =	sadd.s32 s0, s4;
	s0 =	sadd.s32 s0, s7;
	[dreg:$0xc] =	wrdreg s26  }
0x18: {  	s7 =	sadd.s32 $0x190, s1;
	s17 =	sadd.s32 $0x7800, s20;
	[dreg:$0xd] =	wrdreg s4  }
0x19: {  	s1 =	sadd.s32 $0xF0, s1;
	s18 =	sadd.s32 $0xA000, s20;
	[dreg:$0x15] =	wrdreg s17  }
0x1a: {  	s19 =	sadd.s32 $0xC800, s20;
	s22 =	sadd.s32 $0xF000, s20;
	[dreg:$0x16] =	wrdreg s18  }
0x1b: {  	s8 =	simm.s32 $0x50;
	s0 =	sadd.s32 $0x27000, s0;
	[dreg:$0x17] =	wrdreg s19  }
0x1c: {  	s4 =	sshrl.u32 s9, $0x3;
	s15 =	sshrl.u32 s1, $0x3;
	[dreg:$0x18] =	wrdreg s22  }
0x1d: {  	s23 =	sadd.s32 $0x11800, s20;
	s26 =	sadd.s32 $0x138000, s2;
	s22 =	simm.s32 $0xD  }
0x1e: {  	s9 =	simm.s32 $0x400;
	s17 =	simm.s32 $0x5;
	s18 =	simm.s32 $0x180  }
0x1f: {  	s19 =	simm.s32 $0x380;
	s1 =	simm.s32 $0x8;
	[dreg:$0xe] =	wrdreg s0  }
0x20: {  	s0 =	sshrl.u32 s7, $0x3;
	s14 =	sadd.s32 s4, s10;
	s16 =	sadd.s32 s4, s12  }
0x21: {  	s24 =	sadd.s32 s15, s10;
	s25 =	sadd.s32 s15, s12;
	[dreg:$0x19] =	wrdreg s23  }
0x22: {  	[dreg:$0x1a] =	wrdreg s26;
	s7 =	simm.s32 $0x200;
	s15 =	simm.s32 $0x300  }
.Ltmp0:
0x23: {  	s26 =	simm.s32 $0x3;
	s23 =	simm.s32 $0x0;
	(pc) =	sbr.rel .LBB2_1-.Ltmp0, $4  }
0x24: {  	s13 =	sadd.s32 s0, s10;
	s0 =	sadd.s32 s0, s12;
	[dreg:$0x13] =	wrdreg s14  }
0x25: {  	[dreg:$0x14] =	wrdreg s16;
	s12 =	simm.s32 $0x2C00;
	s14 =	simm.s32 $0x100  }
0x26: {  	s16 =	simm.s32 $0x7C00;
	s10 =	simm.s32 $0xB;
	[dreg:$0x11] =	wrdreg s13  }
0x27: {  	v0 =	vimm.f32 $0.0e+00;
	[dreg:$0x12] =	wrdreg s0;
	s13 =	simm.s32 $0x7;
	s0 =	simm.s32 $0x1  }
.LBB2_6:
0x28: {  	_ =	swait.ge [sflag:s17], $0x2800  }
0x29: {  	[sflag:s17] =	ssyncset.done $0x0  }
0x2a: {  	[sflag:s17] =	ssyncadd.s32 $0xFFFFD800  }
0x2b: {  	[spmem:s2] =	stream.indirect.scatter.add.f32 [tilespmem:s9], [sflag:$0x9], $0x80, s7, s8, $0xb8;
	[tilespmem:$0x1DC80] =	vst v63  }
0x2c: {  	_ =	swait.ge [sflag:s30], $0x2800  }
0x2d: {  	[sflag:s30] =	ssyncset.done $0x0  }
0x2e: {  	s4 =	simm.s32 $0xA;
	[sflag:s30] =	ssyncadd.s32 $0xFFFFD800  }
0x2f: {  	_ =	swait.ge [sflag:s4], $0x2800  }
0x30: {  	[sflag:s4] =	ssyncset.done $0x0  }
0x31: {  	[sflag:s4] =	ssyncadd.s32 $0xFFFFD800  }
0x32: {  	_ =	swait.ge [sflag:s10], $0x2800  }
0x33: {  	[sflag:s10] =	ssyncset.done $0x0  }
0x34: {  	s20 =	simm.s32 $0xC;
	[sflag:s10] =	ssyncadd.s32 $0xFFFFD800  }
0x35: {  	_ =	swait.ge [sflag:s20], $0x2800  }
0x36: {  	[sflag:s20] =	ssyncset.done $0x0  }
0x37: {  	[sflag:s20] =	ssyncadd.s32 $0xFFFFD800  }
0x38: {  	s22 =	stileid.u32;
	[bflag:$0x0] =	sbarrier.arrive $0xFFFF  }
0x39: {  	s23 =	simm.s32 $0xD;
	s4 =	sshll.u32 s22, $0x6;
	s20 =	rddreg [dreg:$0xa]  }
0x3a: {  	s4 =	sor.u32 $0x1C0D, s4;
	s22 =	rddreg [dreg:$0xd];
	s6 =	sshrl.u32 s20, $0x3  }
0x3b: {  	[hbm:s22], [sflag:s4] =	dma.local [spmem:s6], $0x2700  }
0x3c: {  	_ =	swait.ge [sflag:s23], $0x2700  }
0x3d: {  	[sflag:s23] =	ssyncset.done $0x0;
	s6 =	rddreg [dreg:$0x1a]  }
0x3e: {  	s22 =	rddreg [dreg:$0xe];
	[sflag:s23] =	ssyncadd.s32 $0xFFFFD900;
	s6 =	sshrl.u32 @!p0 s6, $0x3  }
0x3f: {  	[hbm:s22], [sflag:s4] =	dma.local @!p0 [spmem:s6], $0x100  }
0x40: {  	s4 =	simm.s32 @!p0 $0xD  }
0x41: {  	_ =	swait.ge @!p0 [sflag:s4], $0x100  }
0x42: {  	s23 =	rddreg [dreg:$0x1b]  }
0x43: {  	s6 =	rddreg [dreg:$0xf];
	s23 =	sadd.s32 $0x1, s23  }
0x44: {  	p1 =	sne.s32 s23, s6  }
.Ltmp1:
0x45: {  	_ = 	snop;
	(pc) =	sbr.rel @!p1 .LBB2_7-.Ltmp1, $3  }
0x46: {  	_ =	sdelay $0x1  }
0x47: {  	[sflag:s4] =	ssyncset.done @!p0 $0x0  }
0x48: {  	s22 =	simm.s32 $0xD;
	[sflag:s4] =	ssyncadd.s32 @!p0 $0xFFFFFF00  }
.LBB2_1:
0x49: {  	[dreg:$0x1b] =	wrdreg s23  }
0x4a: {  	s4 =	rddreg [dreg:$0x4]  }
0x4b: {  	[tilespmem:s3], [sflag:$0xD] =	stream.linear.gather [hbm4b:s4+s3], $0x50, $0x38;
	[tilespmem:$0x1DC80] =	vst v63  }
0x4c: {  	_ =	swait.ge [sflag:s22], $0x50  }
0x4d: {  	[sflag:s22] =	ssyncset.done $0x0  }
0x4e: {  	s6 =	rddreg [dreg:$0x5];
	[sflag:s22] =	ssyncadd.s32 $0xFFFFFFB0  }
0x4f: {  	[tilespmem:s7], [sflag:$0xD] =	stream.linear.gather [hbm4b:s6+s3], $0x50, $0x38;
	[tilespmem:$0x1DC80] =	vst v63  }
0x50: {  	_ =	swait.ge [sflag:s22], $0x50  }
0x51: {  	[sflag:s22] =	ssyncset.done $0x0  }
0x52: {  	[sflag:s22] =	ssyncadd.s32 $0xFFFFFFB0  }
0x53: {  	[tilespmem:s9], [sflag:$0x5] =	stream.indirect.gather [hbm4b:s5+s8], $0x80, s3, s8, $0xb8;
	[tilespmem:$0x1DC80] =	vst v63  }
0x54: {  	s6 =	simm.s32 $0x80;
	s23 =	rddreg [dreg:$0x6]  }
0x55: {  	[tilespmem:s6], [sflag:$0xD] =	stream.linear.gather [hbm4b:s23+s3], $0x50, $0x38;
	[tilespmem:$0x1DC80] =	vst v63  }
0x56: {  	_ =	swait.ge [sflag:s22], $0x50  }
0x57: {  	[sflag:s22] =	ssyncset.done $0x0  }
0x58: {  	s23 =	simm.s32 $0x280;
	s4 =	rddreg [dreg:$0x7];
	[sflag:s22] =	ssyncadd.s32 $0xFFFFFFB0  }
0x59: {  	[tilespmem:s23], [sflag:$0xD] =	stream.linear.gather [hbm4b:s4+s3], $0x50, $0x38;
	[tilespmem:$0x1DC80] =	vst v63  }
0x5a: {  	_ =	swait.ge [sflag:s22], $0x50  }
0x5b: {  	[sflag:s22] =	ssyncset.done $0x0  }
0x5c: {  	[sflag:s22] =	ssyncadd.s32 $0xFFFFFFB0  }
0x5d: {  	[tilespmem:s12], [sflag:$0x6] =	stream.indirect.gather [hbm4b:s5+s8], $0x80, s6, s8, $0xb8;
	[tilespmem:$0x1DC80] =	vst v63  }
0x5e: {  	s6 =	rddreg [dreg:$0x8]  }
0x5f: {  	[tilespmem:s14], [sflag:$0x3] =	stream.linear.gather [hbm4b:s6+s3], $0x50, $0x38;
	[tilespmem:$0x1DC80] =	vst v63  }
0x60: {  	s4 =	simm.s32 $0x0;
	s23 =	rddreg [dreg:$0x9];
	s6 =	simm.s32 $0x200  }
0x61: {  	[tilespmem:s15], [sflag:$0x3] =	stream.linear.gather [hbm4b:s23+s3], $0x50, $0x38;
	[tilespmem:$0x1DC80] =	vst v63  }
.LBB2_2:
0x62: {  	p1 =	sne.s32 s6, $0x9E00;
	[tilespmem:s4+$0x7C70] =	vst v0  }
0x63: {  	[tilespmem:s4+$0x7C00] =	vst v0  }
0x64: {  	[tilespmem:s4+$0x7C10] =	vst v0  }
.Ltmp2:
0x65: {  	[tilespmem:s4+$0x7C20] =	vst v0;
	(pc) =	sbr.rel @p1 .LBB2_2-.Ltmp2, $4  }
0x66: {  	[tilespmem:s4+$0x7C30] =	vst v0  }
0x67: {  	[tilespmem:s4+$0x7C40] =	vst v0  }
0x68: {  	[tilespmem:s4+$0x7C50] =	vst v0  }
0x69: {  	[tilespmem:s4+$0x7C60] =	vst v0;
	s4 =	sshra.s32 s6, $0x2;
	s6 =	sadd.s32 $0x200, s6  }
0x6a: {  	[tilespmem:s4+$0x7C70] =	vst v0  }
0x6b: {  	[tilespmem:s4+$0x7C00] =	vst v0  }
0x6c: {  	[tilespmem:s4+$0x7C10] =	vst v0  }
0x6d: {  	[tilespmem:s4+$0x7C20] =	vst v0  }
0x6e: {  	[tilespmem:s4+$0x7C30] =	vst v0  }
0x6f: {  	[tilespmem:s4+$0x7C40] =	vst v0  }
0x70: {  	[tilespmem:s4+$0x7C50] =	vst v0  }
0x71: {  	[tilespmem:s4+$0x7C60] =	vst v0  }
0x72: {  	[spmem:s20] =	stream.linear.scatter [tilespmem:s16], [sflag:$0xD], $0x2800, $0x38;
	[tilespmem:$0x1DC80] =	vst v63  }
0x73: {  	_ =	swait.ge [sflag:s22], $0x2800  }
0x74: {  	[sflag:s22] =	ssyncset.done $0x0  }
0x75: {  	s23 =	rddreg [dreg:$0xb];
	[sflag:s22] =	ssyncadd.s32 $0xFFFFD800  }
0x76: {  	[spmem:s23] =	stream.linear.scatter [tilespmem:s16], [sflag:$0xD], $0x2800, $0x38;
	[tilespmem:$0x1DC80] =	vst v63  }
0x77: {  	_ =	swait.ge [sflag:s22], $0x2800  }
0x78: {  	[sflag:s22] =	ssyncset.done $0x0  }
0x79: {  	s6 =	rddreg [dreg:$0xc];
	[sflag:s22] =	ssyncadd.s32 $0xFFFFD800  }
0x7a: {  	[spmem:s6] =	stream.linear.scatter [tilespmem:s16], [sflag:$0xD], $0x2800, $0x38;
	[tilespmem:$0x1DC80] =	vst v63  }
0x7b: {  	_ =	swait.ge [sflag:s22], $0x2800  }
0x7c: {  	[sflag:s22] =	ssyncset.done $0x0  }
0x7d: {  	s20 =	rddreg [dreg:$0x15];
	[sflag:s22] =	ssyncadd.s32 $0xFFFFD800  }
0x7e: {  	[spmem:s20] =	stream.linear.scatter [tilespmem:s16], [sflag:$0xD], $0x2800, $0x38;
	[tilespmem:$0x1DC80] =	vst v63  }
0x7f: {  	_ =	swait.ge [sflag:s22], $0x2800  }
0x80: {  	[sflag:s22] =	ssyncset.done $0x0  }
0x81: {  	s23 =	rddreg [dreg:$0x16];
	[sflag:s22] =	ssyncadd.s32 $0xFFFFD800  }
0x82: {  	[spmem:s23] =	stream.linear.scatter [tilespmem:s16], [sflag:$0xD], $0x2800, $0x38;
	[tilespmem:$0x1DC80] =	vst v63  }
0x83: {  	_ =	swait.ge [sflag:s22], $0x2800  }
0x84: {  	[sflag:s22] =	ssyncset.done $0x0  }
0x85: {  	s6 =	rddreg [dreg:$0x17];
	[sflag:s22] =	ssyncadd.s32 $0xFFFFD800  }
0x86: {  	[spmem:s6] =	stream.linear.scatter [tilespmem:s16], [sflag:$0xD], $0x2800, $0x38;
	[tilespmem:$0x1DC80] =	vst v63  }
0x87: {  	_ =	swait.ge [sflag:s22], $0x2800  }
0x88: {  	[sflag:s22] =	ssyncset.done $0x0  }
0x89: {  	s20 =	rddreg [dreg:$0x18];
	[sflag:s22] =	ssyncadd.s32 $0xFFFFD800  }
0x8a: {  	[spmem:s20] =	stream.linear.scatter [tilespmem:s16], [sflag:$0xD], $0x2800, $0x38;
	[tilespmem:$0x1DC80] =	vst v63  }
0x8b: {  	_ =	swait.ge [sflag:s22], $0x2800  }
0x8c: {  	[sflag:s22] =	ssyncset.done $0x0  }
0x8d: {  	s23 =	rddreg [dreg:$0x19];
	[sflag:s22] =	ssyncadd.s32 $0xFFFFD800  }
0x8e: {  	[spmem:s23] =	stream.linear.scatter [tilespmem:s16], [sflag:$0xD], $0x2000, $0x38;
	[tilespmem:$0x1DC80] =	vst v63  }
0x8f: {  	_ =	swait.ge [sflag:s22], $0x2000  }
0x90: {  	[sflag:s22] =	ssyncset.done $0x0  }
0x91: {  	s4 =	simm.s32 @!p0 $0x7C00;
	s6 =	rddreg [dreg:$0x1a];
	[sflag:s22] =	ssyncadd.s32 $0xFFFFE000  }
0x92: {  	[spmem:s6] =	stream.linear.scatter @!p0 [tilespmem:s4], [sflag:$0xD], $0x800, $0x38;
	[tilespmem:$0x1DC80] =	vst v63  }
0x93: {  	s4 =	simm.s32 @!p0 $0xD  }
0x94: {  	_ =	swait.ge @!p0 [sflag:s4], $0x800  }
0x95: {  	[sflag:s4] =	ssyncset.done @!p0 $0x0  }
0x96: {  	[sflag:s4] =	ssyncadd.s32 @!p0 $0xFFFFF800  }
0x97: {  	[bflag:$0x0] =	sbarrier.arrive $0xFFFF  }
0x98: {  	s4 =	simm.s32 $0x0;
	s6 =	rddreg [dreg:$0x10]  }
.LBB2_4:
0x99: {  	_ =	swait.ge [sflag:s17], $0x2800  }
0x9a: {  	p1 =	seq.s32 s4, $0x0;
	[sflag:s17] =	ssyncset.done $0x0  }
0x9b: {  	s22 =	simm.s32 @!p1 $0xC;
	[sflag:s17] =	ssyncadd.s32 $0xFFFFD800  }
0x9c: {  	[spmem:s2] =	stream.indirect.scatter.add.f32 [tilespmem:s9], [sflag:$0x9], $0x80, s7, s8, $0xb8;
	[tilespmem:$0x1DC80] =	vst v63  }
0x9d: {  	_ =	swait.ge @!p1 [sflag:s22], $0x2800  }
0x9e: {  	[sflag:s22] =	ssyncset.done @!p1 $0x0  }
0x9f: {  	s20 =	sadd.s32 s4, s25;
	[sflag:s22] =	ssyncadd.s32 @!p1 $0xFFFFD800  }
0xa0: {  	[tilespmem:s18], [sflag:$0x4] =	stream.linear.gather [hbm4b:s20+s3], $0x50, $0x38;
	[tilespmem:$0x1DC80] =	vst v63  }
0xa1: {  	s23 =	sadd.s32 s4, s24  }
0xa2: {  	[tilespmem:s19], [sflag:$0x4] =	stream.linear.gather [hbm4b:s23+s3], $0x50, $0x38;
	[tilespmem:$0x1DC80] =	vst v63  }
0xa3: {  	_ =	swait.ge [sflag:s26], $0x50  }
0xa4: {  	[sflag:s26] =	ssyncset.done $0x0  }
0xa5: {  	[sflag:s26] =	ssyncadd.s32 $0xFFFFFFB0  }
0xa6: {  	_ =	swait.ge [sflag:s26], $0x50  }
0xa7: {  	[sflag:s26] =	ssyncset.done $0x0  }
0xa8: {  	[sflag:s26] =	ssyncadd.s32 $0xFFFFFFB0  }
0xa9: {  	[tilespmem:s28], [sflag:$0x7] =	stream.indirect.gather [hbm4b:s5+s8], $0x80, s14, s8, $0xb8;
	[tilespmem:$0x1DC80] =	vst v63  }
0xaa: {  	_ =	swait.ge [sflag:s29], $0x2800  }
0xab: {  	[sflag:s29] =	ssyncset.done $0x0  }
0xac: {  	s20 =	simm.s32 $0x280;
	[sflag:s29] =	ssyncadd.s32 $0xFFFFD800  }
0xad: {  	[spmem:s2] =	stream.indirect.scatter.add.f32 [tilespmem:s12], [sflag:$0xA], $0x80, s20, s8, $0xb8;
	[tilespmem:$0x1DC80] =	vst v63  }
0xae: {  	_ =	swait.ge [sflag:s30], $0x2800  }
0xaf: {  	s20 =	sshrl.u32 s6, $0x3;
	[sflag:s30] =	ssyncset.done $0x0  }
0xb0: {  	s23 =	sadd.s32 s21, s20;
	[sflag:s30] =	ssyncadd.s32 $0xFFFFD800  }
0xb1: {  	[tilespmem:s3], [sflag:$0x1] =	stream.linear.gather [hbm4b:s23+s3], $0x50, $0x38;
	[tilespmem:$0x1DC80] =	vst v63  }
0xb2: {  	s23 =	rddreg [dreg:$0x1]  }
0xb3: {  	s22 =	sadd.s32 s23, s20  }
0xb4: {  	[tilespmem:s7], [sflag:$0x1] =	stream.linear.gather [hbm4b:s22+s3], $0x50, $0x38;
	[tilespmem:$0x1DC80] =	vst v63  }
0xb5: {  	_ =	swait.ge [sflag:s31], $0x50  }
0xb6: {  	[sflag:s31] =	ssyncset.done $0x0  }
0xb7: {  	[sflag:s31] =	ssyncadd.s32 $0xFFFFFFB0  }
0xb8: {  	_ =	swait.ge [sflag:s31], $0x50  }
0xb9: {  	[sflag:s31] =	ssyncset.done $0x0  }
0xba: {  	[sflag:s31] =	ssyncadd.s32 $0xFFFFFFB0  }
0xbb: {  	[tilespmem:s16], [sflag:$0x8] =	stream.indirect.gather [hbm4b:s5+s8], $0x80, s18, s8, $0xb8;
	[tilespmem:$0x1DC80] =	vst v63  }
0xbc: {  	_ =	swait.ge [sflag:s13], $0x2800  }
0xbd: {  	p1 =	seq.s32 s4, $0x4B0;
	[sflag:s13] =	ssyncset.done $0x0  }
0xbe: {  	s22 =	simm.s32 @!p1 $0xA;
	[sflag:s13] =	ssyncadd.s32 $0xFFFFD800  }
0xbf: {  	[spmem:s2] =	stream.indirect.scatter.add.f32 [tilespmem:s28], [sflag:$0xB], $0x80, s15, s8, $0xb8;
	[tilespmem:$0x1DC80] =	vst v63  }
0xc0: {  	_ =	swait.ge @!p1 [sflag:s22], $0x2800  }
0xc1: {  	s23 =	simm.s32 @!p1 $0x0;
	[sflag:s22] =	ssyncset.done @!p1 $0x0;
	s20 =	rddreg [dreg:$0x12]  }
0xc2: {  	[sflag:s22] =	ssyncadd.s32 @!p1 $0xFFFFD800;
	s22 =	sadd.s32 @!p1 s4, s20;
	s20 =	simm.s32 @!p1 $0x80  }
0xc3: {  	[tilespmem:s20], [sflag:$0x2] =	stream.linear.gather @!p1 [hbm4b:s22+s23], $0x50, $0x38;
	[tilespmem:$0x1DC80] =	vst v63  }
0xc4: {  	s20 =	rddreg [dreg:$0x11]  }
0xc5: {  	s22 =	simm.s32 @!p1 $0x280;
	s20 =	sadd.s32 @!p1 s4, s20  }
0xc6: {  	[tilespmem:s22], [sflag:$0x2] =	stream.linear.gather @!p1 [hbm4b:s20+s23], $0x50, $0x38;
	[tilespmem:$0x1DC80] =	vst v63  }
0xc7: {  	_ =	swait.ge [sflag:s0], $0x50  }
0xc8: {  	[sflag:s0] =	ssyncset.done $0x0  }
0xc9: {  	[sflag:s0] =	ssyncadd.s32 $0xFFFFFFB0  }
0xca: {  	_ =	swait.ge [sflag:s0], $0x50  }
0xcb: {  	[sflag:s0] =	ssyncset.done $0x0  }
0xcc: {  	[sflag:s0] =	ssyncadd.s32 $0xFFFFFFB0  }
0xcd: {  	[tilespmem:s9], [sflag:$0x5] =	stream.indirect.gather [hbm4b:s5+s8], $0x80, s3, s8, $0xb8;
	[tilespmem:$0x1DC80] =	vst v63  }
.Ltmp3:
0xce: {  	_ = 	snop;
	(pc) =	sbr.rel @p1 .LBB2_6-.Ltmp3, $4  }
0xcf: {  	_ =	swait.ge [sflag:s1], $0x2800  }
0xd0: {  	[sflag:s1] =	ssyncset.done $0x0  }
0xd1: {  	[sflag:s1] =	ssyncadd.s32 $0xFFFFD800  }
0xd2: {  	[spmem:s2] =	stream.indirect.scatter.add.f32 [tilespmem:s16], [sflag:$0xC], $0x80, s19, s8, $0xb8;
	[tilespmem:$0x1DC80] =	vst v63  }
0xd3: {  	_ =	swait.ge [sflag:s10], $0x2800  }
0xd4: {  	[sflag:s10] =	ssyncset.done $0x0;
	s20 =	rddreg [dreg:$0x14]  }
0xd5: {  	s22 =	rddreg [dreg:$0x13];
	[sflag:s10] =	ssyncadd.s32 $0xFFFFD800;
	s20 =	sadd.s32 s4, s20  }
0xd6: {  	[tilespmem:s14], [sflag:$0x3] =	stream.linear.gather [hbm4b:s20+s3], $0x50, $0x38;
	[tilespmem:$0x1DC80] =	vst v63  }
0xd7: {  	s20 =	sadd.s32 s4, s22  }
0xd8: {  	[tilespmem:s15], [sflag:$0x3] =	stream.linear.gather [hbm4b:s20+s3], $0x50, $0x38;
	[tilespmem:$0x1DC80] =	vst v63  }
0xd9: {  	_ =	swait.ge [sflag:s11], $0x50  }
0xda: {  	[sflag:s11] =	ssyncset.done $0x0  }
.Ltmp4:
0xdb: {  	[sflag:s11] =	ssyncadd.s32 $0xFFFFFFB0;
	(pc) =	sbr.rel .LBB2_4-.Ltmp4, $4  }
0xdc: {  	_ =	swait.ge [sflag:s11], $0x50  }
0xdd: {  	s23 =	simm.s32 $0x80;
	[sflag:s11] =	ssyncset.done $0x0  }
0xde: {  	s6 =	sadd.s32 $0x140, s6;
	s4 =	sadd.s32 $0x28, s4;
	[sflag:s11] =	ssyncadd.s32 $0xFFFFFFB0  }
0xdf: {  	[tilespmem:s12], [sflag:$0x6] =	stream.indirect.gather [hbm4b:s5+s8], $0x80, s23, s8, $0xb8;
	[tilespmem:$0x1DC80] =	vst v63  }
.LBB2_7:
0xe0: {  	_ =	sfence.sel $0x180000  }
0xe1: {  	[bflag:$0x0] =	sbarrier.arrive $0xFFFF  }
0xe2: {  	_ =	strace $0x90000047  }
0xe3: {  	[bflag:$0x2] =	sbarrier.arrive $0xFFFF  }
0xe4: {  	s0 =	rddreg [dreg:$0x3]  }
0xe5: {  	s0 =	sadd.s32 @!p0 $0x100000, s0  }
0xe6: {  	[sflag:s0] =	ssyncadd.tile.s32 @!p0 $0x1;
	_ =	shalt  }
.Lfunc_end2:
_tile_overlayer_lowered:
.L_overlay_start_2:
0xe7: {  	(tag) =	ssettag $0x2  }
0xe8: {  	s0 =	rddreg [dreg:$0x0];
	s2 =	stileid.u32  }
0xe9: {  	s1 =	rddreg [dreg:$0x1];
	p0 =	sne.s32 s2, $0x0  }
0xea: {  	s3 =	rddreg [dreg:$0x2];
	[bflag:$0x3] =	sbarrier.arrive $0xFFFF;
	s2 =	simm.s32 @!p0 $0x1C0D  }
0xeb: {  	[timem:s3], [sflag:s2] =	dma.local @!p0 [hbm:s0], s1  }
0xec: {  	s0 =	simm.s32 @!p0 $0xD  }
0xed: {  	_ =	swait.ge @!p0 [sflag:s0], s1  }
0xee: {  	s1 =	ssub.s32 @!p0 $0x0, s1;
	[sflag:s0] =	ssyncset.done @!p0 $0x0  }
0xef: {  	[sflag:s0] =	ssyncadd.s32 @!p0 s1  }
0xf0: {  	[bflag:$0x3] =	sbarrier.arrive $0xFFFF  }
0xf1: {  	_ =	shalt  }

</sc_bundles>
